<compile_context>
chip_gen: v7x
topology: tpu7x:2x2x1
jax: 0.10.2.dev20260603
libtpu: 0.0.44.dev20260713+nightly
codegen_flags: <defaults>
</compile_context>

<pallas_src>
import functools

import jax
import jax.numpy as jnp
from jax import lax
from jax.experimental import pallas as pl
from jax.experimental.pallas import tpu as pltpu
from jax.experimental.pallas import tpu_sc as plsc

_NC = 2
_NS = 16
_NW = _NC * _NS
_CK = 80


_PK = 8


def _sc_scatter_partials(ep, ei4, n_pad):
    nrow, lanes = ep.shape
    nw, nt, pk, ck = ei4.shape
    rpt_rows = nrow // nw
    bf_r = rpt_rows // nt
    de = lanes // pk
    rpt = n_pad // _NS

    mesh = plsc.VectorSubcoreMesh(core_axis_name="c", subcore_axis_name="s",
                                  num_cores=_NC, num_subcores=_NS)

    @functools.partial(
        pl.kernel,
        out_type=jax.ShapeDtypeStruct((_NC, n_pad, de), jnp.float32),
        mesh=mesh,
        scratch_types=[
            pltpu.VMEM((nt, pk, ck), jnp.int32),
            pltpu.VMEM((2, pk, ck, de), jnp.float32),
            pltpu.VMEM((rpt, de), jnp.float32),
            pltpu.VMEM_SHARED((n_pad, de), jnp.float32),
            pltpu.SemaphoreType.DMA,
            pltpu.SemaphoreType.DMA,
            pltpu.SemaphoreType.DMA,
        ],
        compiler_params=pltpu.CompilerParams(use_tc_tiling_on_sc=False),
    )
    def k(e_hbm, ei_hbm, out_hbm, idx_v, ebuf, rowbuf, agg_sh, gsem0, gsem1,
          ssem):
        c = lax.axis_index("c")
        s = lax.axis_index("s")
        wid = s * _NC + c
        base = wid * rpt_rows
        gsems = [gsem0, gsem1]

        def gather_descs(t, b):
            return [
                pltpu.make_async_copy(
                    e_hbm.at[pl.ds(base + t * bf_r, bf_r), pl.ds(l * de, de)],
                    ebuf.at[b, l], gsems[b])
                for l in range(pk)
            ]

        def start_gathers(t, b):
            for d in gather_descs(t, b):
                d.start()

        def wait_gathers(t, b):
            for d in gather_descs(t, b):
                d.wait()

        def scatter_block(t, b):
            descs = [
                pltpu.async_copy(
                    ebuf.at[b, l], agg_sh.at[idx_v.at[t, l]], ssem, add=True)
                for l in range(pk)
            ]
            for d in descs:
                d.wait()

        @pl.loop(0, rpt)
        def zero_row(i):
            rowbuf[i, :] = jnp.zeros((de,), jnp.float32)

        pltpu.sync_copy(rowbuf, agg_sh.at[pl.ds(s * rpt, rpt)])

        pltpu.sync_copy(ei_hbm.at[wid], idx_v)
        plsc.subcore_barrier()

        start_gathers(0, 0)
        start_gathers(1, 1)

        nt_even = nt - (nt % 2)

        @pl.loop(0, nt_even, step=2)
        def outer(t):
            for b in range(2):
                tt = t + b
                wait_gathers(tt, b)
                scatter_block(tt, b)

                @pl.when(tt + 2 < nt)
                def _():
                    start_gathers(tt + 2, b)

        if nt % 2:
            wait_gathers(nt - 1, 0)
            scatter_block(nt - 1, 0)

        plsc.subcore_barrier()

        pltpu.sync_copy(agg_sh.at[pl.ds(s * rpt, rpt)], rowbuf)
        pltpu.sync_copy(rowbuf, out_hbm.at[c, pl.ds(s * rpt, rpt)])

    return k(ep, ei4)


def _tc_mlp(x, parts, batch3, u, w1a, w1b, w1c, b1, w2, b2, w3, b3, bn):
    n, df = x.shape
    grid = n // bn
    de = parts.shape[2]
    dg, du = u.shape
    hh = w2.shape[0]
    t = w3.shape[1]

    def body(x_r, p_r, b_r, u_r, w1a_r, w1b_r, w1c_r, b1_r, w2_r, b2_r, w3_r,
             b3_r, o_r):
        xb = x_r[...]
        agg = p_r[0] + p_r[1]
        bblk = b_r[0, 0, :]
        oh = (bblk[:, None] == lax.broadcasted_iota(jnp.int32, (bn, dg), 1))
        oh = oh.astype(jnp.float32)
        uw = jnp.dot(u_r[...], w1c_r[...], preferred_element_type=jnp.float32)
        pre = (jnp.dot(xb, w1a_r[...], preferred_element_type=jnp.float32)
               + jnp.dot(agg, w1b_r[...], preferred_element_type=jnp.float32)
               + jnp.dot(oh, uw, preferred_element_type=jnp.float32)
               + b1_r[...])
        h1 = jnp.where(pre > 0, pre, 0.01 * pre)
        pre2 = jnp.dot(h1, w2_r[...], preferred_element_type=jnp.float32) + b2_r[...]
        h2 = jnp.where(pre2 > 0, pre2, 0.01 * pre2)
        o_r[...] = jnp.dot(h2, w3_r[...], preferred_element_type=jnp.float32) + b3_r[...]

    return pl.pallas_call(
        body,
        grid=(grid,),
        in_specs=[
            pl.BlockSpec((bn, df), lambda i: (i, 0)),
            pl.BlockSpec((2, bn, de), lambda i: (0, i, 0)),
            pl.BlockSpec((1, 1, bn), lambda i: (i, 0, 0)),
            pl.BlockSpec((dg, du), lambda i: (0, 0)),
            pl.BlockSpec((df, hh), lambda i: (0, 0)),
            pl.BlockSpec((de, hh), lambda i: (0, 0)),
            pl.BlockSpec((du, hh), lambda i: (0, 0)),
            pl.BlockSpec((1, hh), lambda i: (0, 0)),
            pl.BlockSpec((hh, hh), lambda i: (0, 0)),
            pl.BlockSpec((1, hh), lambda i: (0, 0)),
            pl.BlockSpec((hh, t), lambda i: (0, 0)),
            pl.BlockSpec((1, t), lambda i: (0, 0)),
        ],
        out_specs=pl.BlockSpec((bn, t), lambda i: (i, 0)),
        out_shape=jax.ShapeDtypeStruct((n, t), jnp.float32),
    )(x, parts, batch3, u, w1a, w1b, w1c, b1, w2, b2, w3, b3)


def kernel(x, edge_index, edge_attr, u, batch, W1, b1, W2, b2, W3, b3):
    n, df = x.shape
    e, de = edge_attr.shape
    ept = e // _NW
    nt = 10
    ck = ept // (nt * _PK)

    ep = edge_attr.reshape(e // _PK, _PK * de)
    ei4 = (edge_index[1]
           .reshape(_NW, nt, ck, _PK)
           .transpose(0, 1, 3, 2))
    n_pad = ((n + 8 * _NS - 1) // (8 * _NS)) * (8 * _NS)
    parts = _sc_scatter_partials(ep, ei4, n_pad)

    w1a = W1[:df]
    w1b = W1[df:df + de]
    w1c = W1[df + de:]
    bn = 2000
    batch3 = batch.reshape(n // bn, 1, bn)
    return _tc_mlp(x, parts, batch3, u, w1a, w1b, w1c,
                   b1.reshape(1, -1), W2, b2.reshape(1, -1), W3,
                   b3.reshape(1, -1), bn)

# --- scband reference (transcript-rebuilt; emitter-appended) ---
"""Pipeline reference for scband-node-model-6244882448874 (READ-ONLY COPY).

The authoritative reference and input builder live on the scoring server;
editing this copy changes nothing except your own understanding.
"""

import jax, jax.numpy as jnp
import numpy as np


def setup_inputs(seed: int = 0) -> dict:
    key = jax.random.key(seed)
    ks = jax.random.split(key, 12)
    N = 10000
    E = 320000
    DF = 128
    DE = 16
    DG = 16
    H = 128
    T = 128
    G = 16
    x = jax.random.normal(ks[0], (N, DF), dtype=jnp.float32)
    edge_index = jax.random.randint(ks[1], (2, E), 0, N, dtype=jnp.int32)
    edge_attr = jax.random.normal(ks[2], (E, DE), dtype=jnp.float32)
    u = jax.random.normal(ks[3], (G, DG), dtype=jnp.float32)
    batch = jnp.sort(jax.random.randint(ks[4], (N,), 0, G, dtype=jnp.int32))
    DIN = DF + DE + DG
    W1 = jax.random.normal(ks[5], (DIN, H), dtype=jnp.float32) * (1.0 / np.sqrt(DIN))
    b1 = jnp.zeros((H,), dtype=jnp.float32)
    W2 = jax.random.normal(ks[6], (H, H), dtype=jnp.float32) * (1.0 / np.sqrt(H))
    b2 = jnp.zeros((H,), dtype=jnp.float32)
    W3 = jax.random.normal(ks[7], (H, T), dtype=jnp.float32) * (1.0 / np.sqrt(H))
    b3 = jnp.zeros((T,), dtype=jnp.float32)
    return {"x": x, "edge_index": edge_index, "edge_attr": edge_attr, "u": u, "batch": batch,
            "W1": W1, "b1": b1, "W2": W2, "b2": b2, "W3": W3, "b3": b3}


def reference(x, edge_index, edge_attr, u, batch, W1, b1, W2, b2, W3, b3):
    # row, col = edge_index; scatter_add edge_attr over dst nodes (col)
    col = edge_index[1]
    agg = jax.ops.segment_sum(edge_attr, col, num_segments=x.shape[0])
    # out = cat([x, agg, u[batch]], dim=1)
    h = jnp.concatenate([x, agg, jnp.take(u, batch, axis=0)], axis=1)
    # node_mlp: Lin -> LeakyReLU -> Lin -> LeakyReLU -> Lin
    h = jax.nn.leaky_relu(h @ W1 + b1, negative_slope=0.01)
    h = jax.nn.leaky_relu(h @ W2 + b2, negative_slope=0.01)
    out = h @ W3 + b3
    return out

if __name__ == "__main__":
    import jax
    _d = setup_inputs()
    print(jax.jit(kernel)(*tuple(_d.values())))

</pallas_src>

<mosaic_0001>
#map = affine_map<(d0, d1) -> (0, 0)>
#map1 = affine_map<(d0, d1) -> (0, 0, 0, 0)>
#map2 = affine_map<(d0, d1) -> (0, 0, 0)>
module attributes {stable_mosaic.version = 14 : i64} {
  func.func @k(%arg0: i32, %arg1: i32, %arg2: memref<40000x128xf32, #tpu.memory_space<hbm>>, %arg3: memref<32x10x8x125xi32, #tpu.memory_space<hbm>>, %arg4: memref<2x10112x16xf32, #tpu.memory_space<hbm>>, %arg5: memref<10x8x125xi32, #tpu.memory_space<vmem>>, %arg6: memref<2x8x125x16xf32, #tpu.memory_space<vmem>>, %arg7: memref<632x16xf32, #tpu.memory_space<vmem>>, %arg8: memref<10112x16xf32, #tpu.memory_space<vmem_shared>>, %arg9: memref<!tpu.dma_semaphore, #tpu.memory_space<semaphore_mem>>, %arg10: memref<!tpu.dma_semaphore, #tpu.memory_space<semaphore_mem>>, %arg11: memref<!tpu.dma_semaphore, #tpu.memory_space<semaphore_mem>>) attributes {dimension_semantics = [#tpu.dimension_semantics<core_parallel>, #tpu.dimension_semantics<subcore_parallel>], iteration_bounds = array<i64: 2, 16>, scalar_prefetch = 0 : i64, scratch_operands = 7 : i64, tpu.core_type = #tpu.core_type<sc_vector_subcore>, window_params = [{transform_indices = #map}, {transform_indices = #map1}, {transform_indices = #map2}]} {
    %mul3A = arith.constant 2 : i32
    %mul3A_0 = arith.muli %arg1, %mul3A : i32
    %add3A = arith.addi %mul3A_0, %arg0 : i32
    %mul3A_1 = arith.constant 1250 : i32
    %mul3A_2 = arith.muli %add3A, %mul3A_1 : i32
    %scan3A = arith.constant 0 : i32
    %scan3A_3 = arith.constant 632 : i32
    %scan3A_4 = arith.addi %scan3A, %scan3A_3 : i32
    %scan3A_5 = arith.constant 1 : i32
    scf.for %scan3A_274 = %scan3A to %scan3A_4 step %scan3A_5  : i32 {
      %mul3A_275 = arith.constant 1 : i32
      %mul3A_276 = arith.muli %scan3A_274, %mul3A_275 : i32
      %add3A_277 = arith.constant 0 : i32
      %add3A_278 = arith.addi %add3A_277, %mul3A_276 : i32
      %broadcast_in_dim3A = arith.constant 0.000000e+00 : f32
      %broadcast_in_dim3A_279 = vector.broadcast %broadcast_in_dim3A : f32 to vector<16xf32>
      %swap3A = arith.index_cast %add3A_278 : i32 to index
      %swap3A_280 = arith.constant 0 : index
      %swap3A_281 = tpu.vector_load %arg7[%swap3A, %swap3A_280] {strides = array<i32>} : memref<632x16xf32, #tpu.memory_space<vmem>>, vector<1x16xf32>,
      %swap3A_282 = vector.shape_cast %swap3A_281 : vector<1x16xf32> to vector<16xf32>
      %swap3A_283 = vector.shape_cast %broadcast_in_dim3A_279 : vector<16xf32> to vector<1x16xf32>
      tpu.vector_store %arg7[%swap3A, %swap3A_280], %swap3A_283 {strides = array<i32>} : memref<632x16xf32, #tpu.memory_space<vmem>>, vector<1x16xf32>,
    }
    %scan3A_6 = arith.constant 632 : i32
    %mul3A_7 = arith.constant 632 : i32
    %mul3A_8 = arith.muli %arg1, %mul3A_7 : i32
    "tpu.region"() ({
      %run_scoped3A = tpu.sem_alloc : memref<!tpu.dma_semaphore, #tpu.memory_space<semaphore_mem>>
      %dma_start3A_274 = arith.constant 0 : i32
      %dma_start3A_275 = tpu.memref_slice %arg8[%mul3A_8, %dma_start3A_274] : memref<10112x16xf32, #tpu.memory_space<vmem_shared>> -> memref<632x16xf32, #tpu.memory_space<vmem_shared>>
      %dma_start3A_276 = arith.constant 0 : i32
      %dma_start3A_277 = tpu.memref_slice %arg8[%mul3A_8, %dma_start3A_276] : memref<10112x16xf32, #tpu.memory_space<vmem_shared>> -> memref<632x16xf32, #tpu.memory_space<vmem_shared>>
      tpu.enqueue_dma source(%arg7 : memref<632x16xf32, #tpu.memory_space<vmem>>) target(%dma_start3A_277 : memref<632x16xf32, #tpu.memory_space<vmem_shared>>) target_semaphore(%run_scoped3A : memref<!tpu.dma_semaphore, #tpu.memory_space<semaphore_mem>>)
      %dma_wait3A = arith.constant 0 : i32
      %dma_wait3A_278 = tpu.memref_slice %arg8[%mul3A_8, %dma_wait3A] : memref<10112x16xf32, #tpu.memory_space<vmem_shared>> -> memref<632x16xf32, #tpu.memory_space<vmem_shared>>
      %dma_wait3A_279 = arith.constant 0 : i32
      %dma_wait3A_280 = tpu.memref_slice %arg8[%mul3A_8, %dma_wait3A_279] : memref<10112x16xf32, #tpu.memory_space<vmem_shared>> -> memref<632x16xf32, #tpu.memory_space<vmem_shared>>
      tpu.wait_dma2 semaphore(%run_scoped3A : memref<!tpu.dma_semaphore, #tpu.memory_space<semaphore_mem>>) src(%arg7 : memref<632x16xf32, #tpu.memory_space<vmem>>) dst(%dma_wait3A_280 : memref<632x16xf32, #tpu.memory_space<vmem_shared>>)
      tpu.yield
    }) : () -> ()
    "tpu.region"() ({
      %run_scoped3A = tpu.sem_alloc : memref<!tpu.dma_semaphore, #tpu.memory_space<semaphore_mem>>
      %dma_start3A_274 = arith.constant 0 : i32
      %dma_start3A_275 = arith.constant 0 : i32
      %dma_start3A_276 = arith.constant 0 : i32
      %dma_start3A_277 = tpu.memref_slice %arg3[%add3A, %dma_start3A_274, %dma_start3A_275, %dma_start3A_276] : memref<32x10x8x125xi32, #tpu.memory_space<hbm>> -> memref<1x10x8x125xi32, #tpu.memory_space<hbm>>
      %dma_start3A_278 = tpu.memref_squeeze %dma_start3A_277 : memref<1x10x8x125xi32, #tpu.memory_space<hbm>> -> memref<10x8x125xi32, #tpu.memory_space<hbm>>
      %dma_start3A_279 = arith.constant 0 : i32
      %dma_start3A_280 = arith.constant 0 : i32
      %dma_start3A_281 = arith.constant 0 : i32
      %dma_start3A_282 = tpu.memref_slice %arg3[%add3A, %dma_start3A_279, %dma_start3A_280, %dma_start3A_281] : memref<32x10x8x125xi32, #tpu.memory_space<hbm>> -> memref<1x10x8x125xi32, #tpu.memory_space<hbm>>
      %dma_start3A_283 = tpu.memref_squeeze %dma_start3A_282 : memref<1x10x8x125xi32, #tpu.memory_space<hbm>> -> memref<10x8x125xi32, #tpu.memory_space<hbm>>
      tpu.enqueue_dma source(%dma_start3A_283 : memref<10x8x125xi32, #tpu.memory_space<hbm>>) target(%arg5 : memref<10x8x125xi32, #tpu.memory_space<vmem>>) target_semaphore(%run_scoped3A : memref<!tpu.dma_semaphore, #tpu.memory_space<semaphore_mem>>)
      %dma_wait3A = arith.constant 0 : i32
      %dma_wait3A_284 = arith.constant 0 : i32
      %dma_wait3A_285 = arith.constant 0 : i32
      %dma_wait3A_286 = tpu.memref_slice %arg3[%add3A, %dma_wait3A, %dma_wait3A_284, %dma_wait3A_285] : memref<32x10x8x125xi32, #tpu.memory_space<hbm>> -> memref<1x10x8x125xi32, #tpu.memory_space<hbm>>
      %dma_wait3A_287 = tpu.memref_squeeze %dma_wait3A_286 : memref<1x10x8x125xi32, #tpu.memory_space<hbm>> -> memref<10x8x125xi32, #tpu.memory_space<hbm>>
      %dma_wait3A_288 = arith.constant 0 : i32
      %dma_wait3A_289 = arith.constant 0 : i32
      %dma_wait3A_290 = arith.constant 0 : i32
      %dma_wait3A_291 = tpu.memref_slice %arg3[%add3A, %dma_wait3A_288, %dma_wait3A_289, %dma_wait3A_290] : memref<32x10x8x125xi32, #tpu.memory_space<hbm>> -> memref<1x10x8x125xi32, #tpu.memory_space<hbm>>
      %dma_wait3A_292 = tpu.memref_squeeze %dma_wait3A_291 : memref<1x10x8x125xi32, #tpu.memory_space<hbm>> -> memref<10x8x125xi32, #tpu.memory_space<hbm>>
      tpu.wait_dma2 semaphore(%run_scoped3A : memref<!tpu.dma_semaphore, #tpu.memory_space<semaphore_mem>>) src(%dma_wait3A_292 : memref<10x8x125xi32, #tpu.memory_space<hbm>>) dst(%arg5 : memref<10x8x125xi32, #tpu.memory_space<vmem>>)
      tpu.yield
    }) : () -> ()
    %barrier3A = arith.constant 0 : index
    tpu.barrier barrier_id(%barrier3A)
    %add3A_9 = arith.constant 0 : i32
    %add3A_10 = arith.addi %mul3A_2, %add3A_9 : i32
    %add3A_11 = arith.constant 0 : i32
    %add3A_12 = arith.addi %mul3A_2, %add3A_11 : i32
    %add3A_13 = arith.constant 0 : i32
    %add3A_14 = arith.addi %mul3A_2, %add3A_13 : i32
    %add3A_15 = arith.constant 0 : i32
    %add3A_16 = arith.addi %mul3A_2, %add3A_15 : i32
    %add3A_17 = arith.constant 0 : i32
    %add3A_18 = arith.addi %mul3A_2, %add3A_17 : i32
    %add3A_19 = arith.constant 0 : i32
    %add3A_20 = arith.addi %mul3A_2, %add3A_19 : i32
    %add3A_21 = arith.constant 0 : i32
    %add3A_22 = arith.addi %mul3A_2, %add3A_21 : i32
    %add3A_23 = arith.constant 0 : i32
    %add3A_24 = arith.addi %mul3A_2, %add3A_23 : i32
    %dma_start3A = arith.constant 0 : i32
    %dma_start3A_25 = arith.constant 0 : i32
    %dma_start3A_26 = arith.constant 0 : i32
    %dma_start3A_27 = arith.constant 0 : i32
    %dma_start3A_28 = tpu.memref_slice %arg6[%dma_start3A, %dma_start3A_25, %dma_start3A_26, %dma_start3A_27] : memref<2x8x125x16xf32, #tpu.memory_space<vmem>> -> memref<1x1x125x16xf32, #tpu.memory_space<vmem>>
    %dma_start3A_29 = tpu.memref_squeeze %dma_start3A_28 : memref<1x1x125x16xf32, #tpu.memory_space<vmem>> -> memref<125x16xf32, #tpu.memory_space<vmem>>
    %dma_start3A_30 = arith.constant 0 : i32
    %dma_start3A_31 = tpu.memref_slice %arg2[%add3A_10, %dma_start3A_30] : memref<40000x128xf32, #tpu.memory_space<hbm>> -> memref<125x16xf32, #tpu.memory_space<hbm>>
    %dma_start3A_32 = arith.constant 0 : i32
    %dma_start3A_33 = arith.constant 0 : i32
    %dma_start3A_34 = tpu.memref_slice %arg6[%dma_start3A, %dma_start3A_25, %dma_start3A_32, %dma_start3A_33] : memref<2x8x125x16xf32, #tpu.memory_space<vmem>> -> memref<1x1x125x16xf32, #tpu.memory_space<vmem>>
    %dma_start3A_35 = tpu.memref_squeeze %dma_start3A_34 : memref<1x1x125x16xf32, #tpu.memory_space<vmem>> -> memref<125x16xf32, #tpu.memory_space<vmem>>
    %dma_start3A_36 = arith.constant 0 : i32
    %dma_start3A_37 = tpu.memref_slice %arg2[%add3A_10, %dma_start3A_36] : memref<40000x128xf32, #tpu.memory_space<hbm>> -> memref<125x16xf32, #tpu.memory_space<hbm>>
    tpu.enqueue_dma source(%dma_start3A_37 : memref<125x16xf32, #tpu.memory_space<hbm>>) target(%dma_start3A_35 : memref<125x16xf32, #tpu.memory_space<vmem>>) target_semaphore(%arg9 : memref<!tpu.dma_semaphore, #tpu.memory_space<semaphore_mem>>)
    %dma_start3A_38 = arith.constant 0 : i32
    %dma_start3A_39 = arith.constant 1 : i32
    %dma_start3A_40 = arith.constant 0 : i32
    %dma_start3A_41 = arith.constant 0 : i32
    %dma_start3A_42 = tpu.memref_slice %arg6[%dma_start3A_38, %dma_start3A_39, %dma_start3A_40, %dma_start3A_41] : memref<2x8x125x16xf32, #tpu.memory_space<vmem>> -> memref<1x1x125x16xf32, #tpu.memory_space<vmem>>
    %dma_start3A_43 = tpu.memref_squeeze %dma_start3A_42 : memref<1x1x125x16xf32, #tpu.memory_space<vmem>> -> memref<125x16xf32, #tpu.memory_space<vmem>>
    %dma_start3A_44 = arith.constant 16 : i32
    %dma_start3A_45 = tpu.memref_slice %arg2[%add3A_12, %dma_start3A_44] : memref<40000x128xf32, #tpu.memory_space<hbm>> -> memref<125x16xf32, #tpu.memory_space<hbm>>
    %dma_start3A_46 = arith.constant 0 : i32
    %dma_start3A_47 = arith.constant 0 : i32
    %dma_start3A_48 = tpu.memref_slice %arg6[%dma_start3A_38, %dma_start3A_39, %dma_start3A_46, %dma_start3A_47] : memref<2x8x125x16xf32, #tpu.memory_space<vmem>> -> memref<1x1x125x16xf32, #tpu.memory_space<vmem>>
    %dma_start3A_49 = tpu.memref_squeeze %dma_start3A_48 : memref<1x1x125x16xf32, #tpu.memory_space<vmem>> -> memref<125x16xf32, #tpu.memory_space<vmem>>
    %dma_start3A_50 = arith.constant 16 : i32
    %dma_start3A_51 = tpu.memref_slice %arg2[%add3A_12, %dma_start3A_50] : memref<40000x128xf32, #tpu.memory_space<hbm>> -> memref<125x16xf32, #tpu.memory_space<hbm>>
    tpu.enqueue_dma source(%dma_start3A_51 : memref<125x16xf32, #tpu.memory_space<hbm>>) target(%dma_start3A_49 : memref<125x16xf32, #tpu.memory_space<vmem>>) target_semaphore(%arg9 : memref<!tpu.dma_semaphore, #tpu.memory_space<semaphore_mem>>)
    %dma_start3A_52 = arith.constant 0 : i32
    %dma_start3A_53 = arith.constant 2 : i32
    %dma_start3A_54 = arith.constant 0 : i32
    %dma_start3A_55 = arith.constant 0 : i32
    %dma_start3A_56 = tpu.memref_slice %arg6[%dma_start3A_52, %dma_start3A_53, %dma_start3A_54, %dma_start3A_55] : memref<2x8x125x16xf32, #tpu.memory_space<vmem>> -> memref<1x1x125x16xf32, #tpu.memory_space<vmem>>
    %dma_start3A_57 = tpu.memref_squeeze %dma_start3A_56 : memref<1x1x125x16xf32, #tpu.memory_space<vmem>> -> memref<125x16xf32, #tpu.memory_space<vmem>>
    %dma_start3A_58 = arith.constant 32 : i32
    %dma_start3A_59 = tpu.memref_slice %arg2[%add3A_14, %dma_start3A_58] : memref<40000x128xf32, #tpu.memory_space<hbm>> -> memref<125x16xf32, #tpu.memory_space<hbm>>
    %dma_start3A_60 = arith.constant 0 : i32
    %dma_start3A_61 = arith.constant 0 : i32
    %dma_start3A_62 = tpu.memref_slice %arg6[%dma_start3A_52, %dma_start3A_53, %dma_start3A_60, %dma_start3A_61] : memref<2x8x125x16xf32, #tpu.memory_space<vmem>> -> memref<1x1x125x16xf32, #tpu.memory_space<vmem>>
    %dma_start3A_63 = tpu.memref_squeeze %dma_start3A_62 : memref<1x1x125x16xf32, #tpu.memory_space<vmem>> -> memref<125x16xf32, #tpu.memory_space<vmem>>
    %dma_start3A_64 = arith.constant 32 : i32
    %dma_start3A_65 = tpu.memref_slice %arg2[%add3A_14, %dma_start3A_64] : memref<40000x128xf32, #tpu.memory_space<hbm>> -> memref<125x16xf32, #tpu.memory_space<hbm>>
    tpu.enqueue_dma source(%dma_start3A_65 : memref<125x16xf32, #tpu.memory_space<hbm>>) target(%dma_start3A_63 : memref<125x16xf32, #tpu.memory_space<vmem>>) target_semaphore(%arg9 : memref<!tpu.dma_semaphore, #tpu.memory_space<semaphore_mem>>)
    %dma_start3A_66 = arith.constant 0 : i32
    %dma_start3A_67 = arith.constant 3 : i32
    %dma_start3A_68 = arith.constant 0 : i32
    %dma_start3A_69 = arith.constant 0 : i32
    %dma_start3A_70 = tpu.memref_slice %arg6[%dma_start3A_66, %dma_start3A_67, %dma_start3A_68, %dma_start3A_69] : memref<2x8x125x16xf32, #tpu.memory_space<vmem>> -> memref<1x1x125x16xf32, #tpu.memory_space<vmem>>
    %dma_start3A_71 = tpu.memref_squeeze %dma_start3A_70 : memref<1x1x125x16xf32, #tpu.memory_space<vmem>> -> memref<125x16xf32, #tpu.memory_space<vmem>>
    %dma_start3A_72 = arith.constant 48 : i32
    %dma_start3A_73 = tpu.memref_slice %arg2[%add3A_16, %dma_start3A_72] : memref<40000x128xf32, #tpu.memory_space<hbm>> -> memref<125x16xf32, #tpu.memory_space<hbm>>
    %dma_start3A_74 = arith.constant 0 : i32
    %dma_start3A_75 = arith.constant 0 : i32
    %dma_start3A_76 = tpu.memref_slice %arg6[%dma_start3A_66, %dma_start3A_67, %dma_start3A_74, %dma_start3A_75] : memref<2x8x125x16xf32, #tpu.memory_space<vmem>> -> memref<1x1x125x16xf32, #tpu.memory_space<vmem>>
    %dma_start3A_77 = tpu.memref_squeeze %dma_start3A_76 : memref<1x1x125x16xf32, #tpu.memory_space<vmem>> -> memref<125x16xf32, #tpu.memory_space<vmem>>
    %dma_start3A_78 = arith.constant 48 : i32
    %dma_start3A_79 = tpu.memref_slice %arg2[%add3A_16, %dma_start3A_78] : memref<40000x128xf32, #tpu.memory_space<hbm>> -> memref<125x16xf32, #tpu.memory_space<hbm>>
    tpu.enqueue_dma source(%dma_start3A_79 : memref<125x16xf32, #tpu.memory_space<hbm>>) target(%dma_start3A_77 : memref<125x16xf32, #tpu.memory_space<vmem>>) target_semaphore(%arg9 : memref<!tpu.dma_semaphore, #tpu.memory_space<semaphore_mem>>)
    %dma_start3A_80 = arith.constant 0 : i32
    %dma_start3A_81 = arith.constant 4 : i32
    %dma_start3A_82 = arith.constant 0 : i32
    %dma_start3A_83 = arith.constant 0 : i32
    %dma_start3A_84 = tpu.memref_slice %arg6[%dma_start3A_80, %dma_start3A_81, %dma_start3A_82, %dma_start3A_83] : memref<2x8x125x16xf32, #tpu.memory_space<vmem>> -> memref<1x1x125x16xf32, #tpu.memory_space<vmem>>
    %dma_start3A_85 = tpu.memref_squeeze %dma_start3A_84 : memref<1x1x125x16xf32, #tpu.memory_space<vmem>> -> memref<125x16xf32, #tpu.memory_space<vmem>>
    %dma_start3A_86 = arith.constant 64 : i32
    %dma_start3A_87 = tpu.memref_slice %arg2[%add3A_18, %dma_start3A_86] : memref<40000x128xf32, #tpu.memory_space<hbm>> -> memref<125x16xf32, #tpu.memory_space<hbm>>
    %dma_start3A_88 = arith.constant 0 : i32
    %dma_start3A_89 = arith.constant 0 : i32
    %dma_start3A_90 = tpu.memref_slice %arg6[%dma_start3A_80, %dma_start3A_81, %dma_start3A_88, %dma_start3A_89] : memref<2x8x125x16xf32, #tpu.memory_space<vmem>> -> memref<1x1x125x16xf32, #tpu.memory_space<vmem>>
    %dma_start3A_91 = tpu.memref_squeeze %dma_start3A_90 : memref<1x1x125x16xf32, #tpu.memory_space<vmem>> -> memref<125x16xf32, #tpu.memory_space<vmem>>
    %dma_start3A_92 = arith.constant 64 : i32
    %dma_start3A_93 = tpu.memref_slice %arg2[%add3A_18, %dma_start3A_92] : memref<40000x128xf32, #tpu.memory_space<hbm>> -> memref<125x16xf32, #tpu.memory_space<hbm>>
    tpu.enqueue_dma source(%dma_start3A_93 : memref<125x16xf32, #tpu.memory_space<hbm>>) target(%dma_start3A_91 : memref<125x16xf32, #tpu.memory_space<vmem>>) target_semaphore(%arg9 : memref<!tpu.dma_semaphore, #tpu.memory_space<semaphore_mem>>)
    %dma_start3A_94 = arith.constant 0 : i32
    %dma_start3A_95 = arith.constant 5 : i32
    %dma_start3A_96 = arith.constant 0 : i32
    %dma_start3A_97 = arith.constant 0 : i32
    %dma_start3A_98 = tpu.memref_slice %arg6[%dma_start3A_94, %dma_start3A_95, %dma_start3A_96, %dma_start3A_97] : memref<2x8x125x16xf32, #tpu.memory_space<vmem>> -> memref<1x1x125x16xf32, #tpu.memory_space<vmem>>
    %dma_start3A_99 = tpu.memref_squeeze %dma_start3A_98 : memref<1x1x125x16xf32, #tpu.memory_space<vmem>> -> memref<125x16xf32, #tpu.memory_space<vmem>>
    %dma_start3A_100 = arith.constant 80 : i32
    %dma_start3A_101 = tpu.memref_slice %arg2[%add3A_20, %dma_start3A_100] : memref<40000x128xf32, #tpu.memory_space<hbm>> -> memref<125x16xf32, #tpu.memory_space<hbm>>
    %dma_start3A_102 = arith.constant 0 : i32
    %dma_start3A_103 = arith.constant 0 : i32
    %dma_start3A_104 = tpu.memref_slice %arg6[%dma_start3A_94, %dma_start3A_95, %dma_start3A_102, %dma_start3A_103] : memref<2x8x125x16xf32, #tpu.memory_space<vmem>> -> memref<1x1x125x16xf32, #tpu.memory_space<vmem>>
    %dma_start3A_105 = tpu.memref_squeeze %dma_start3A_104 : memref<1x1x125x16xf32, #tpu.memory_space<vmem>> -> memref<125x16xf32, #tpu.memory_space<vmem>>
    %dma_start3A_106 = arith.constant 80 : i32
    %dma_start3A_107 = tpu.memref_slice %arg2[%add3A_20, %dma_start3A_106] : memref<40000x128xf32, #tpu.memory_space<hbm>> -> memref<125x16xf32, #tpu.memory_space<hbm>>
    tpu.enqueue_dma source(%dma_start3A_107 : memref<125x16xf32, #tpu.memory_space<hbm>>) target(%dma_start3A_105 : memref<125x16xf32, #tpu.memory_space<vmem>>) target_semaphore(%arg9 : memref<!tpu.dma_semaphore, #tpu.memory_space<semaphore_mem>>)
    %dma_start3A_108 = arith.constant 0 : i32
    %dma_start3A_109 = arith.constant 6 : i32
    %dma_start3A_110 = arith.constant 0 : i32
    %dma_start3A_111 = arith.constant 0 : i32
    %dma_start3A_112 = tpu.memref_slice %arg6[%dma_start3A_108, %dma_start3A_109, %dma_start3A_110, %dma_start3A_111] : memref<2x8x125x16xf32, #tpu.memory_space<vmem>> -> memref<1x1x125x16xf32, #tpu.memory_space<vmem>>
    %dma_start3A_113 = tpu.memref_squeeze %dma_start3A_112 : memref<1x1x125x16xf32, #tpu.memory_space<vmem>> -> memref<125x16xf32, #tpu.memory_space<vmem>>
    %dma_start3A_114 = arith.constant 96 : i32
    %dma_start3A_115 = tpu.memref_slice %arg2[%add3A_22, %dma_start3A_114] : memref<40000x128xf32, #tpu.memory_space<hbm>> -> memref<125x16xf32, #tpu.memory_space<hbm>>
    %dma_start3A_116 = arith.constant 0 : i32
    %dma_start3A_117 = arith.constant 0 : i32
    %dma_start3A_118 = tpu.memref_slice %arg6[%dma_start3A_108, %dma_start3A_109, %dma_start3A_116, %dma_start3A_117] : memref<2x8x125x16xf32, #tpu.memory_space<vmem>> -> memref<1x1x125x16xf32, #tpu.memory_space<vmem>>
    %dma_start3A_119 = tpu.memref_squeeze %dma_start3A_118 : memref<1x1x125x16xf32, #tpu.memory_space<vmem>> -> memref<125x16xf32, #tpu.memory_space<vmem>>
    %dma_start3A_120 = arith.constant 96 : i32
    %dma_start3A_121 = tpu.memref_slice %arg2[%add3A_22, %dma_start3A_120] : memref<40000x128xf32, #tpu.memory_space<hbm>> -> memref<125x16xf32, #tpu.memory_space<hbm>>
    tpu.enqueue_dma source(%dma_start3A_121 : memref<125x16xf32, #tpu.memory_space<hbm>>) target(%dma_start3A_119 : memref<125x16xf32, #tpu.memory_space<vmem>>) target_semaphore(%arg9 : memref<!tpu.dma_semaphore, #tpu.memory_space<semaphore_mem>>)
    %dma_start3A_122 = arith.constant 0 : i32
    %dma_start3A_123 = arith.constant 7 : i32
    %dma_start3A_124 = arith.constant 0 : i32
    %dma_start3A_125 = arith.constant 0 : i32
    %dma_start3A_126 = tpu.memref_slice %arg6[%dma_start3A_122, %dma_start3A_123, %dma_start3A_124, %dma_start3A_125] : memref<2x8x125x16xf32, #tpu.memory_space<vmem>> -> memref<1x1x125x16xf32, #tpu.memory_space<vmem>>
    %dma_start3A_127 = tpu.memref_squeeze %dma_start3A_126 : memref<1x1x125x16xf32, #tpu.memory_space<vmem>> -> memref<125x16xf32, #tpu.memory_space<vmem>>
    %dma_start3A_128 = arith.constant 112 : i32
    %dma_start3A_129 = tpu.memref_slice %arg2[%add3A_24, %dma_start3A_128] : memref<40000x128xf32, #tpu.memory_space<hbm>> -> memref<125x16xf32, #tpu.memory_space<hbm>>
    %dma_start3A_130 = arith.constant 0 : i32
    %dma_start3A_131 = arith.constant 0 : i32
    %dma_start3A_132 = tpu.memref_slice %arg6[%dma_start3A_122, %dma_start3A_123, %dma_start3A_130, %dma_start3A_131] : memref<2x8x125x16xf32, #tpu.memory_space<vmem>> -> memref<1x1x125x16xf32, #tpu.memory_space<vmem>>
    %dma_start3A_133 = tpu.memref_squeeze %dma_start3A_132 : memref<1x1x125x16xf32, #tpu.memory_space<vmem>> -> memref<125x16xf32, #tpu.memory_space<vmem>>
    %dma_start3A_134 = arith.constant 112 : i32
    %dma_start3A_135 = tpu.memref_slice %arg2[%add3A_24, %dma_start3A_134] : memref<40000x128xf32, #tpu.memory_space<hbm>> -> memref<125x16xf32, #tpu.memory_space<hbm>>
    tpu.enqueue_dma source(%dma_start3A_135 : memref<125x16xf32, #tpu.memory_space<hbm>>) target(%dma_start3A_133 : memref<125x16xf32, #tpu.memory_space<vmem>>) target_semaphore(%arg9 : memref<!tpu.dma_semaphore, #tpu.memory_space<semaphore_mem>>)
    %add3A_136 = arith.constant 125 : i32
    %add3A_137 = arith.addi %mul3A_2, %add3A_136 : i32
    %add3A_138 = arith.constant 125 : i32
    %add3A_139 = arith.addi %mul3A_2, %add3A_138 : i32
    %add3A_140 = arith.constant 125 : i32
    %add3A_141 = arith.addi %mul3A_2, %add3A_140 : i32
    %add3A_142 = arith.constant 125 : i32
    %add3A_143 = arith.addi %mul3A_2, %add3A_142 : i32
    %add3A_144 = arith.constant 125 : i32
    %add3A_145 = arith.addi %mul3A_2, %add3A_144 : i32
    %add3A_146 = arith.constant 125 : i32
    %add3A_147 = arith.addi %mul3A_2, %add3A_146 : i32
    %add3A_148 = arith.constant 125 : i32
    %add3A_149 = arith.addi %mul3A_2, %add3A_148 : i32
    %add3A_150 = arith.constant 125 : i32
    %add3A_151 = arith.addi %mul3A_2, %add3A_150 : i32
    %dma_start3A_152 = arith.constant 1 : i32
    %dma_start3A_153 = arith.constant 0 : i32
    %dma_start3A_154 = arith.constant 0 : i32
    %dma_start3A_155 = arith.constant 0 : i32
    %dma_start3A_156 = tpu.memref_slice %arg6[%dma_start3A_152, %dma_start3A_153, %dma_start3A_154, %dma_start3A_155] : memref<2x8x125x16xf32, #tpu.memory_space<vmem>> -> memref<1x1x125x16xf32, #tpu.memory_space<vmem>>
    %dma_start3A_157 = tpu.memref_squeeze %dma_start3A_156 : memref<1x1x125x16xf32, #tpu.memory_space<vmem>> -> memref<125x16xf32, #tpu.memory_space<vmem>>
    %dma_start3A_158 = arith.constant 0 : i32
    %dma_start3A_159 = tpu.memref_slice %arg2[%add3A_137, %dma_start3A_158] : memref<40000x128xf32, #tpu.memory_space<hbm>> -> memref<125x16xf32, #tpu.memory_space<hbm>>
    %dma_start3A_160 = arith.constant 0 : i32
    %dma_start3A_161 = arith.constant 0 : i32
    %dma_start3A_162 = tpu.memref_slice %arg6[%dma_start3A_152, %dma_start3A_153, %dma_start3A_160, %dma_start3A_161] : memref<2x8x125x16xf32, #tpu.memory_space<vmem>> -> memref<1x1x125x16xf32, #tpu.memory_space<vmem>>
    %dma_start3A_163 = tpu.memref_squeeze %dma_start3A_162 : memref<1x1x125x16xf32, #tpu.memory_space<vmem>> -> memref<125x16xf32, #tpu.memory_space<vmem>>
    %dma_start3A_164 = arith.constant 0 : i32
    %dma_start3A_165 = tpu.memref_slice %arg2[%add3A_137, %dma_start3A_164] : memref<40000x128xf32, #tpu.memory_space<hbm>> -> memref<125x16xf32, #tpu.memory_space<hbm>>
    tpu.enqueue_dma source(%dma_start3A_165 : memref<125x16xf32, #tpu.memory_space<hbm>>) target(%dma_start3A_163 : memref<125x16xf32, #tpu.memory_space<vmem>>) target_semaphore(%arg10 : memref<!tpu.dma_semaphore, #tpu.memory_space<semaphore_mem>>)
    %dma_start3A_166 = arith.constant 1 : i32
    %dma_start3A_167 = arith.constant 1 : i32
    %dma_start3A_168 = arith.constant 0 : i32
    %dma_start3A_169 = arith.constant 0 : i32
    %dma_start3A_170 = tpu.memref_slice %arg6[%dma_start3A_166, %dma_start3A_167, %dma_start3A_168, %dma_start3A_169] : memref<2x8x125x16xf32, #tpu.memory_space<vmem>> -> memref<1x1x125x16xf32, #tpu.memory_space<vmem>>
    %dma_start3A_171 = tpu.memref_squeeze %dma_start3A_170 : memref<1x1x125x16xf32, #tpu.memory_space<vmem>> -> memref<125x16xf32, #tpu.memory_space<vmem>>
    %dma_start3A_172 = arith.constant 16 : i32
    %dma_start3A_173 = tpu.memref_slice %arg2[%add3A_139, %dma_start3A_172] : memref<40000x128xf32, #tpu.memory_space<hbm>> -> memref<125x16xf32, #tpu.memory_space<hbm>>
    %dma_start3A_174 = arith.constant 0 : i32
    %dma_start3A_175 = arith.constant 0 : i32
    %dma_start3A_176 = tpu.memref_slice %arg6[%dma_start3A_166, %dma_start3A_167, %dma_start3A_174, %dma_start3A_175] : memref<2x8x125x16xf32, #tpu.memory_space<vmem>> -> memref<1x1x125x16xf32, #tpu.memory_space<vmem>>
    %dma_start3A_177 = tpu.memref_squeeze %dma_start3A_176 : memref<1x1x125x16xf32, #tpu.memory_space<vmem>> -> memref<125x16xf32, #tpu.memory_space<vmem>>
    %dma_start3A_178 = arith.constant 16 : i32
    %dma_start3A_179 = tpu.memref_slice %arg2[%add3A_139, %dma_start3A_178] : memref<40000x128xf32, #tpu.memory_space<hbm>> -> memref<125x16xf32, #tpu.memory_space<hbm>>
    tpu.enqueue_dma source(%dma_start3A_179 : memref<125x16xf32, #tpu.memory_space<hbm>>) target(%dma_start3A_177 : memref<125x16xf32, #tpu.memory_space<vmem>>) target_semaphore(%arg10 : memref<!tpu.dma_semaphore, #tpu.memory_space<semaphore_mem>>)
    %dma_start3A_180 = arith.constant 1 : i32
    %dma_start3A_181 = arith.constant 2 : i32
    %dma_start3A_182 = arith.constant 0 : i32
    %dma_start3A_183 = arith.constant 0 : i32
    %dma_start3A_184 = tpu.memref_slice %arg6[%dma_start3A_180, %dma_start3A_181, %dma_start3A_182, %dma_start3A_183] : memref<2x8x125x16xf32, #tpu.memory_space<vmem>> -> memref<1x1x125x16xf32, #tpu.memory_space<vmem>>
    %dma_start3A_185 = tpu.memref_squeeze %dma_start3A_184 : memref<1x1x125x16xf32, #tpu.memory_space<vmem>> -> memref<125x16xf32, #tpu.memory_space<vmem>>
    %dma_start3A_186 = arith.constant 32 : i32
    %dma_start3A_187 = tpu.memref_slice %arg2[%add3A_141, %dma_start3A_186] : memref<40000x128xf32, #tpu.memory_space<hbm>> -> memref<125x16xf32, #tpu.memory_space<hbm>>
    %dma_start3A_188 = arith.constant 0 : i32
    %dma_start3A_189 = arith.constant 0 : i32
    %dma_start3A_190 = tpu.memref_slice %arg6[%dma_start3A_180, %dma_start3A_181, %dma_start3A_188, %dma_start3A_189] : memref<2x8x125x16xf32, #tpu.memory_space<vmem>> -> memref<1x1x125x16xf32, #tpu.memory_space<vmem>>
    %dma_start3A_191 = tpu.memref_squeeze %dma_start3A_190 : memref<1x1x125x16xf32, #tpu.memory_space<vmem>> -> memref<125x16xf32, #tpu.memory_space<vmem>>
    %dma_start3A_192 = arith.constant 32 : i32
    %dma_start3A_193 = tpu.memref_slice %arg2[%add3A_141, %dma_start3A_192] : memref<40000x128xf32, #tpu.memory_space<hbm>> -> memref<125x16xf32, #tpu.memory_space<hbm>>
    tpu.enqueue_dma source(%dma_start3A_193 : memref<125x16xf32, #tpu.memory_space<hbm>>) target(%dma_start3A_191 : memref<125x16xf32, #tpu.memory_space<vmem>>) target_semaphore(%arg10 : memref<!tpu.dma_semaphore, #tpu.memory_space<semaphore_mem>>)
    %dma_start3A_194 = arith.constant 1 : i32
    %dma_start3A_195 = arith.constant 3 : i32
    %dma_start3A_196 = arith.constant 0 : i32
    %dma_start3A_197 = arith.constant 0 : i32
    %dma_start3A_198 = tpu.memref_slice %arg6[%dma_start3A_194, %dma_start3A_195, %dma_start3A_196, %dma_start3A_197] : memref<2x8x125x16xf32, #tpu.memory_space<vmem>> -> memref<1x1x125x16xf32, #tpu.memory_space<vmem>>
    %dma_start3A_199 = tpu.memref_squeeze %dma_start3A_198 : memref<1x1x125x16xf32, #tpu.memory_space<vmem>> -> memref<125x16xf32, #tpu.memory_space<vmem>>
    %dma_start3A_200 = arith.constant 48 : i32
    %dma_start3A_201 = tpu.memref_slice %arg2[%add3A_143, %dma_start3A_200] : memref<40000x128xf32, #tpu.memory_space<hbm>> -> memref<125x16xf32, #tpu.memory_space<hbm>>
    %dma_start3A_202 = arith.constant 0 : i32
    %dma_start3A_203 = arith.constant 0 : i32
    %dma_start3A_204 = tpu.memref_slice %arg6[%dma_start3A_194, %dma_start3A_195, %dma_start3A_202, %dma_start3A_203] : memref<2x8x125x16xf32, #tpu.memory_space<vmem>> -> memref<1x1x125x16xf32, #tpu.memory_space<vmem>>
    %dma_start3A_205 = tpu.memref_squeeze %dma_start3A_204 : memref<1x1x125x16xf32, #tpu.memory_space<vmem>> -> memref<125x16xf32, #tpu.memory_space<vmem>>
    %dma_start3A_206 = arith.constant 48 : i32
    %dma_start3A_207 = tpu.memref_slice %arg2[%add3A_143, %dma_start3A_206] : memref<40000x128xf32, #tpu.memory_space<hbm>> -> memref<125x16xf32, #tpu.memory_space<hbm>>
    tpu.enqueue_dma source(%dma_start3A_207 : memref<125x16xf32, #tpu.memory_space<hbm>>) target(%dma_start3A_205 : memref<125x16xf32, #tpu.memory_space<vmem>>) target_semaphore(%arg10 : memref<!tpu.dma_semaphore, #tpu.memory_space<semaphore_mem>>)
    %dma_start3A_208 = arith.constant 1 : i32
    %dma_start3A_209 = arith.constant 4 : i32
    %dma_start3A_210 = arith.constant 0 : i32
    %dma_start3A_211 = arith.constant 0 : i32
    %dma_start3A_212 = tpu.memref_slice %arg6[%dma_start3A_208, %dma_start3A_209, %dma_start3A_210, %dma_start3A_211] : memref<2x8x125x16xf32, #tpu.memory_space<vmem>> -> memref<1x1x125x16xf32, #tpu.memory_space<vmem>>
    %dma_start3A_213 = tpu.memref_squeeze %dma_start3A_212 : memref<1x1x125x16xf32, #tpu.memory_space<vmem>> -> memref<125x16xf32, #tpu.memory_space<vmem>>
    %dma_start3A_214 = arith.constant 64 : i32
    %dma_start3A_215 = tpu.memref_slice %arg2[%add3A_145, %dma_start3A_214] : memref<40000x128xf32, #tpu.memory_space<hbm>> -> memref<125x16xf32, #tpu.memory_space<hbm>>
    %dma_start3A_216 = arith.constant 0 : i32
    %dma_start3A_217 = arith.constant 0 : i32
    %dma_start3A_218 = tpu.memref_slice %arg6[%dma_start3A_208, %dma_start3A_209, %dma_start3A_216, %dma_start3A_217] : memref<2x8x125x16xf32, #tpu.memory_space<vmem>> -> memref<1x1x125x16xf32, #tpu.memory_space<vmem>>
    %dma_start3A_219 = tpu.memref_squeeze %dma_start3A_218 : memref<1x1x125x16xf32, #tpu.memory_space<vmem>> -> memref<125x16xf32, #tpu.memory_space<vmem>>
    %dma_start3A_220 = arith.constant 64 : i32
    %dma_start3A_221 = tpu.memref_slice %arg2[%add3A_145, %dma_start3A_220] : memref<40000x128xf32, #tpu.memory_space<hbm>> -> memref<125x16xf32, #tpu.memory_space<hbm>>
    tpu.enqueue_dma source(%dma_start3A_221 : memref<125x16xf32, #tpu.memory_space<hbm>>) target(%dma_start3A_219 : memref<125x16xf32, #tpu.memory_space<vmem>>) target_semaphore(%arg10 : memref<!tpu.dma_semaphore, #tpu.memory_space<semaphore_mem>>)
    %dma_start3A_222 = arith.constant 1 : i32
    %dma_start3A_223 = arith.constant 5 : i32
    %dma_start3A_224 = arith.constant 0 : i32
    %dma_start3A_225 = arith.constant 0 : i32
    %dma_start3A_226 = tpu.memref_slice %arg6[%dma_start3A_222, %dma_start3A_223, %dma_start3A_224, %dma_start3A_225] : memref<2x8x125x16xf32, #tpu.memory_space<vmem>> -> memref<1x1x125x16xf32, #tpu.memory_space<vmem>>
    %dma_start3A_227 = tpu.memref_squeeze %dma_start3A_226 : memref<1x1x125x16xf32, #tpu.memory_space<vmem>> -> memref<125x16xf32, #tpu.memory_space<vmem>>
    %dma_start3A_228 = arith.constant 80 : i32
    %dma_start3A_229 = tpu.memref_slice %arg2[%add3A_147, %dma_start3A_228] : memref<40000x128xf32, #tpu.memory_space<hbm>> -> memref<125x16xf32, #tpu.memory_space<hbm>>
    %dma_start3A_230 = arith.constant 0 : i32
    %dma_start3A_231 = arith.constant 0 : i32
    %dma_start3A_232 = tpu.memref_slice %arg6[%dma_start3A_222, %dma_start3A_223, %dma_start3A_230, %dma_start3A_231] : memref<2x8x125x16xf32, #tpu.memory_space<vmem>> -> memref<1x1x125x16xf32, #tpu.memory_space<vmem>>
    %dma_start3A_233 = tpu.memref_squeeze %dma_start3A_232 : memref<1x1x125x16xf32, #tpu.memory_space<vmem>> -> memref<125x16xf32, #tpu.memory_space<vmem>>
    %dma_start3A_234 = arith.constant 80 : i32
    %dma_start3A_235 = tpu.memref_slice %arg2[%add3A_147, %dma_start3A_234] : memref<40000x128xf32, #tpu.memory_space<hbm>> -> memref<125x16xf32, #tpu.memory_space<hbm>>
    tpu.enqueue_dma source(%dma_start3A_235 : memref<125x16xf32, #tpu.memory_space<hbm>>) target(%dma_start3A_233 : memref<125x16xf32, #tpu.memory_space<vmem>>) target_semaphore(%arg10 : memref<!tpu.dma_semaphore, #tpu.memory_space<semaphore_mem>>)
    %dma_start3A_236 = arith.constant 1 : i32
    %dma_start3A_237 = arith.constant 6 : i32
    %dma_start3A_238 = arith.constant 0 : i32
    %dma_start3A_239 = arith.constant 0 : i32
    %dma_start3A_240 = tpu.memref_slice %arg6[%dma_start3A_236, %dma_start3A_237, %dma_start3A_238, %dma_start3A_239] : memref<2x8x125x16xf32, #tpu.memory_space<vmem>> -> memref<1x1x125x16xf32, #tpu.memory_space<vmem>>
    %dma_start3A_241 = tpu.memref_squeeze %dma_start3A_240 : memref<1x1x125x16xf32, #tpu.memory_space<vmem>> -> memref<125x16xf32, #tpu.memory_space<vmem>>
    %dma_start3A_242 = arith.constant 96 : i32
    %dma_start3A_243 = tpu.memref_slice %arg2[%add3A_149, %dma_start3A_242] : memref<40000x128xf32, #tpu.memory_space<hbm>> -> memref<125x16xf32, #tpu.memory_space<hbm>>
    %dma_start3A_244 = arith.constant 0 : i32
    %dma_start3A_245 = arith.constant 0 : i32
    %dma_start3A_246 = tpu.memref_slice %arg6[%dma_start3A_236, %dma_start3A_237, %dma_start3A_244, %dma_start3A_245] : memref<2x8x125x16xf32, #tpu.memory_space<vmem>> -> memref<1x1x125x16xf32, #tpu.memory_space<vmem>>
    %dma_start3A_247 = tpu.memref_squeeze %dma_start3A_246 : memref<1x1x125x16xf32, #tpu.memory_space<vmem>> -> memref<125x16xf32, #tpu.memory_space<vmem>>
    %dma_start3A_248 = arith.constant 96 : i32
    %dma_start3A_249 = tpu.memref_slice %arg2[%add3A_149, %dma_start3A_248] : memref<40000x128xf32, #tpu.memory_space<hbm>> -> memref<125x16xf32, #tpu.memory_space<hbm>>
    tpu.enqueue_dma source(%dma_start3A_249 : memref<125x16xf32, #tpu.memory_space<hbm>>) target(%dma_start3A_247 : memref<125x16xf32, #tpu.memory_space<vmem>>) target_semaphore(%arg10 : memref<!tpu.dma_semaphore, #tpu.memory_space<semaphore_mem>>)
    %dma_start3A_250 = arith.constant 1 : i32
    %dma_start3A_251 = arith.constant 7 : i32
    %dma_start3A_252 = arith.constant 0 : i32
    %dma_start3A_253 = arith.constant 0 : i32
    %dma_start3A_254 = tpu.memref_slice %arg6[%dma_start3A_250, %dma_start3A_251, %dma_start3A_252, %dma_start3A_253] : memref<2x8x125x16xf32, #tpu.memory_space<vmem>> -> memref<1x1x125x16xf32, #tpu.memory_space<vmem>>
    %dma_start3A_255 = tpu.memref_squeeze %dma_start3A_254 : memref<1x1x125x16xf32, #tpu.memory_space<vmem>> -> memref<125x16xf32, #tpu.memory_space<vmem>>
    %dma_start3A_256 = arith.constant 112 : i32
    %dma_start3A_257 = tpu.memref_slice %arg2[%add3A_151, %dma_start3A_256] : memref<40000x128xf32, #tpu.memory_space<hbm>> -> memref<125x16xf32, #tpu.memory_space<hbm>>
    %dma_start3A_258 = arith.constant 0 : i32
    %dma_start3A_259 = arith.constant 0 : i32
    %dma_start3A_260 = tpu.memref_slice %arg6[%dma_start3A_250, %dma_start3A_251, %dma_start3A_258, %dma_start3A_259] : memref<2x8x125x16xf32, #tpu.memory_space<vmem>> -> memref<1x1x125x16xf32, #tpu.memory_space<vmem>>
    %dma_start3A_261 = tpu.memref_squeeze %dma_start3A_260 : memref<1x1x125x16xf32, #tpu.memory_space<vmem>> -> memref<125x16xf32, #tpu.memory_space<vmem>>
    %dma_start3A_262 = arith.constant 112 : i32
    %dma_start3A_263 = tpu.memref_slice %arg2[%add3A_151, %dma_start3A_262] : memref<40000x128xf32, #tpu.memory_space<hbm>> -> memref<125x16xf32, #tpu.memory_space<hbm>>
    tpu.enqueue_dma source(%dma_start3A_263 : memref<125x16xf32, #tpu.memory_space<hbm>>) target(%dma_start3A_261 : memref<125x16xf32, #tpu.memory_space<vmem>>) target_semaphore(%arg10 : memref<!tpu.dma_semaphore, #tpu.memory_space<semaphore_mem>>)
    %scan3A_264 = arith.constant 0 : i32
    %scan3A_265 = arith.constant 5 : i32
    %scan3A_266 = arith.addi %scan3A_264, %scan3A_265 : i32
    %scan3A_267 = arith.constant 1 : i32
    scf.for %scan3A_274 = %scan3A_264 to %scan3A_266 step %scan3A_267  : i32 {
      %mul3A_275 = arith.constant 2 : i32
      %mul3A_276 = arith.muli %scan3A_274, %mul3A_275 : i32
      %add3A_277 = arith.constant 0 : i32
      %add3A_278 = arith.addi %add3A_277, %mul3A_276 : i32
      %add3A_279 = arith.constant 0 : i32
      %add3A_280 = arith.addi %add3A_278, %add3A_279 : i32
      %mul3A_281 = arith.constant 125 : i32
      %mul3A_282 = arith.muli %add3A_280, %mul3A_281 : i32
      %add3A_283 = arith.addi %mul3A_2, %mul3A_282 : i32
      %mul3A_284 = arith.constant 125 : i32
      %mul3A_285 = arith.muli %add3A_280, %mul3A_284 : i32
      %add3A_286 = arith.addi %mul3A_2, %mul3A_285 : i32
      %mul3A_287 = arith.constant 125 : i32
      %mul3A_288 = arith.muli %add3A_280, %mul3A_287 : i32
      %add3A_289 = arith.addi %mul3A_2, %mul3A_288 : i32
      %mul3A_290 = arith.constant 125 : i32
      %mul3A_291 = arith.muli %add3A_280, %mul3A_290 : i32
      %add3A_292 = arith.addi %mul3A_2, %mul3A_291 : i32
      %mul3A_293 = arith.constant 125 : i32
      %mul3A_294 = arith.muli %add3A_280, %mul3A_293 : i32
      %add3A_295 = arith.addi %mul3A_2, %mul3A_294 : i32
      %mul3A_296 = arith.constant 125 : i32
      %mul3A_297 = arith.muli %add3A_280, %mul3A_296 : i32
      %add3A_298 = arith.addi %mul3A_2, %mul3A_297 : i32
      %mul3A_299 = arith.constant 125 : i32
      %mul3A_300 = arith.muli %add3A_280, %mul3A_299 : i32
      %add3A_301 = arith.addi %mul3A_2, %mul3A_300 : i32
      %mul3A_302 = arith.constant 125 : i32
      %mul3A_303 = arith.muli %add3A_280, %mul3A_302 : i32
      %add3A_304 = arith.addi %mul3A_2, %mul3A_303 : i32
      %dma_wait3A = arith.constant 0 : i32
      %dma_wait3A_305 = arith.constant 0 : i32
      %dma_wait3A_306 = arith.constant 0 : i32
      %dma_wait3A_307 = arith.constant 0 : i32
      %dma_wait3A_308 = tpu.memref_slice %arg6[%dma_wait3A, %dma_wait3A_305, %dma_wait3A_306, %dma_wait3A_307] : memref<2x8x125x16xf32, #tpu.memory_space<vmem>> -> memref<1x1x125x16xf32, #tpu.memory_space<vmem>>
      %dma_wait3A_309 = tpu.memref_squeeze %dma_wait3A_308 : memref<1x1x125x16xf32, #tpu.memory_space<vmem>> -> memref<125x16xf32, #tpu.memory_space<vmem>>
      %dma_wait3A_310 = arith.constant 0 : i32
      %dma_wait3A_311 = tpu.memref_slice %arg2[%add3A_283, %dma_wait3A_310] : memref<40000x128xf32, #tpu.memory_space<hbm>> -> memref<125x16xf32, #tpu.memory_space<hbm>>
      %dma_wait3A_312 = arith.constant 0 : i32
      %dma_wait3A_313 = arith.constant 0 : i32
      %dma_wait3A_314 = tpu.memref_slice %arg6[%dma_wait3A, %dma_wait3A_305, %dma_wait3A_312, %dma_wait3A_313] : memref<2x8x125x16xf32, #tpu.memory_space<vmem>> -> memref<1x1x125x16xf32, #tpu.memory_space<vmem>>
      %dma_wait3A_315 = tpu.memref_squeeze %dma_wait3A_314 : memref<1x1x125x16xf32, #tpu.memory_space<vmem>> -> memref<125x16xf32, #tpu.memory_space<vmem>>
      %dma_wait3A_316 = arith.constant 0 : i32
      %dma_wait3A_317 = tpu.memref_slice %arg2[%add3A_283, %dma_wait3A_316] : memref<40000x128xf32, #tpu.memory_space<hbm>> -> memref<125x16xf32, #tpu.memory_space<hbm>>
      tpu.wait_dma2 semaphore(%arg9 : memref<!tpu.dma_semaphore, #tpu.memory_space<semaphore_mem>>) src(%dma_wait3A_317 : memref<125x16xf32, #tpu.memory_space<hbm>>) dst(%dma_wait3A_315 : memref<125x16xf32, #tpu.memory_space<vmem>>)
      %dma_wait3A_318 = arith.constant 0 : i32
      %dma_wait3A_319 = arith.constant 1 : i32
      %dma_wait3A_320 = arith.constant 0 : i32
      %dma_wait3A_321 = arith.constant 0 : i32
      %dma_wait3A_322 = tpu.memref_slice %arg6[%dma_wait3A_318, %dma_wait3A_319, %dma_wait3A_320, %dma_wait3A_321] : memref<2x8x125x16xf32, #tpu.memory_space<vmem>> -> memref<1x1x125x16xf32, #tpu.memory_space<vmem>>
      %dma_wait3A_323 = tpu.memref_squeeze %dma_wait3A_322 : memref<1x1x125x16xf32, #tpu.memory_space<vmem>> -> memref<125x16xf32, #tpu.memory_space<vmem>>
      %dma_wait3A_324 = arith.constant 16 : i32
      %dma_wait3A_325 = tpu.memref_slice %arg2[%add3A_286, %dma_wait3A_324] : memref<40000x128xf32, #tpu.memory_space<hbm>> -> memref<125x16xf32, #tpu.memory_space<hbm>>
      %dma_wait3A_326 = arith.constant 0 : i32
      %dma_wait3A_327 = arith.constant 0 : i32
      %dma_wait3A_328 = tpu.memref_slice %arg6[%dma_wait3A_318, %dma_wait3A_319, %dma_wait3A_326, %dma_wait3A_327] : memref<2x8x125x16xf32, #tpu.memory_space<vmem>> -> memref<1x1x125x16xf32, #tpu.memory_space<vmem>>
      %dma_wait3A_329 = tpu.memref_squeeze %dma_wait3A_328 : memref<1x1x125x16xf32, #tpu.memory_space<vmem>> -> memref<125x16xf32, #tpu.memory_space<vmem>>
      %dma_wait3A_330 = arith.constant 16 : i32
      %dma_wait3A_331 = tpu.memref_slice %arg2[%add3A_286, %dma_wait3A_330] : memref<40000x128xf32, #tpu.memory_space<hbm>> -> memref<125x16xf32, #tpu.memory_space<hbm>>
      tpu.wait_dma2 semaphore(%arg9 : memref<!tpu.dma_semaphore, #tpu.memory_space<semaphore_mem>>) src(%dma_wait3A_331 : memref<125x16xf32, #tpu.memory_space<hbm>>) dst(%dma_wait3A_329 : memref<125x16xf32, #tpu.memory_space<vmem>>)
      %dma_wait3A_332 = arith.constant 0 : i32
      %dma_wait3A_333 = arith.constant 2 : i32
      %dma_wait3A_334 = arith.constant 0 : i32
      %dma_wait3A_335 = arith.constant 0 : i32
      %dma_wait3A_336 = tpu.memref_slice %arg6[%dma_wait3A_332, %dma_wait3A_333, %dma_wait3A_334, %dma_wait3A_335] : memref<2x8x125x16xf32, #tpu.memory_space<vmem>> -> memref<1x1x125x16xf32, #tpu.memory_space<vmem>>
      %dma_wait3A_337 = tpu.memref_squeeze %dma_wait3A_336 : memref<1x1x125x16xf32, #tpu.memory_space<vmem>> -> memref<125x16xf32, #tpu.memory_space<vmem>>
      %dma_wait3A_338 = arith.constant 32 : i32
      %dma_wait3A_339 = tpu.memref_slice %arg2[%add3A_289, %dma_wait3A_338] : memref<40000x128xf32, #tpu.memory_space<hbm>> -> memref<125x16xf32, #tpu.memory_space<hbm>>
      %dma_wait3A_340 = arith.constant 0 : i32
      %dma_wait3A_341 = arith.constant 0 : i32
      %dma_wait3A_342 = tpu.memref_slice %arg6[%dma_wait3A_332, %dma_wait3A_333, %dma_wait3A_340, %dma_wait3A_341] : memref<2x8x125x16xf32, #tpu.memory_space<vmem>> -> memref<1x1x125x16xf32, #tpu.memory_space<vmem>>
      %dma_wait3A_343 = tpu.memref_squeeze %dma_wait3A_342 : memref<1x1x125x16xf32, #tpu.memory_space<vmem>> -> memref<125x16xf32, #tpu.memory_space<vmem>>
      %dma_wait3A_344 = arith.constant 32 : i32
      %dma_wait3A_345 = tpu.memref_slice %arg2[%add3A_289, %dma_wait3A_344] : memref<40000x128xf32, #tpu.memory_space<hbm>> -> memref<125x16xf32, #tpu.memory_space<hbm>>
      tpu.wait_dma2 semaphore(%arg9 : memref<!tpu.dma_semaphore, #tpu.memory_space<semaphore_mem>>) src(%dma_wait3A_345 : memref<125x16xf32, #tpu.memory_space<hbm>>) dst(%dma_wait3A_343 : memref<125x16xf32, #tpu.memory_space<vmem>>)
      %dma_wait3A_346 = arith.constant 0 : i32
      %dma_wait3A_347 = arith.constant 3 : i32
      %dma_wait3A_348 = arith.constant 0 : i32
      %dma_wait3A_349 = arith.constant 0 : i32
      %dma_wait3A_350 = tpu.memref_slice %arg6[%dma_wait3A_346, %dma_wait3A_347, %dma_wait3A_348, %dma_wait3A_349] : memref<2x8x125x16xf32, #tpu.memory_space<vmem>> -> memref<1x1x125x16xf32, #tpu.memory_space<vmem>>
      %dma_wait3A_351 = tpu.memref_squeeze %dma_wait3A_350 : memref<1x1x125x16xf32, #tpu.memory_space<vmem>> -> memref<125x16xf32, #tpu.memory_space<vmem>>
      %dma_wait3A_352 = arith.constant 48 : i32
      %dma_wait3A_353 = tpu.memref_slice %arg2[%add3A_292, %dma_wait3A_352] : memref<40000x128xf32, #tpu.memory_space<hbm>> -> memref<125x16xf32, #tpu.memory_space<hbm>>
      %dma_wait3A_354 = arith.constant 0 : i32
      %dma_wait3A_355 = arith.constant 0 : i32
      %dma_wait3A_356 = tpu.memref_slice %arg6[%dma_wait3A_346, %dma_wait3A_347, %dma_wait3A_354, %dma_wait3A_355] : memref<2x8x125x16xf32, #tpu.memory_space<vmem>> -> memref<1x1x125x16xf32, #tpu.memory_space<vmem>>
      %dma_wait3A_357 = tpu.memref_squeeze %dma_wait3A_356 : memref<1x1x125x16xf32, #tpu.memory_space<vmem>> -> memref<125x16xf32, #tpu.memory_space<vmem>>
      %dma_wait3A_358 = arith.constant 48 : i32
      %dma_wait3A_359 = tpu.memref_slice %arg2[%add3A_292, %dma_wait3A_358] : memref<40000x128xf32, #tpu.memory_space<hbm>> -> memref<125x16xf32, #tpu.memory_space<hbm>>
      tpu.wait_dma2 semaphore(%arg9 : memref<!tpu.dma_semaphore, #tpu.memory_space<semaphore_mem>>) src(%dma_wait3A_359 : memref<125x16xf32, #tpu.memory_space<hbm>>) dst(%dma_wait3A_357 : memref<125x16xf32, #tpu.memory_space<vmem>>)
      %dma_wait3A_360 = arith.constant 0 : i32
      %dma_wait3A_361 = arith.constant 4 : i32
      %dma_wait3A_362 = arith.constant 0 : i32
      %dma_wait3A_363 = arith.constant 0 : i32
      %dma_wait3A_364 = tpu.memref_slice %arg6[%dma_wait3A_360, %dma_wait3A_361, %dma_wait3A_362, %dma_wait3A_363] : memref<2x8x125x16xf32, #tpu.memory_space<vmem>> -> memref<1x1x125x16xf32, #tpu.memory_space<vmem>>
      %dma_wait3A_365 = tpu.memref_squeeze %dma_wait3A_364 : memref<1x1x125x16xf32, #tpu.memory_space<vmem>> -> memref<125x16xf32, #tpu.memory_space<vmem>>
      %dma_wait3A_366 = arith.constant 64 : i32
      %dma_wait3A_367 = tpu.memref_slice %arg2[%add3A_295, %dma_wait3A_366] : memref<40000x128xf32, #tpu.memory_space<hbm>> -> memref<125x16xf32, #tpu.memory_space<hbm>>
      %dma_wait3A_368 = arith.constant 0 : i32
      %dma_wait3A_369 = arith.constant 0 : i32
      %dma_wait3A_370 = tpu.memref_slice %arg6[%dma_wait3A_360, %dma_wait3A_361, %dma_wait3A_368, %dma_wait3A_369] : memref<2x8x125x16xf32, #tpu.memory_space<vmem>> -> memref<1x1x125x16xf32, #tpu.memory_space<vmem>>
      %dma_wait3A_371 = tpu.memref_squeeze %dma_wait3A_370 : memref<1x1x125x16xf32, #tpu.memory_space<vmem>> -> memref<125x16xf32, #tpu.memory_space<vmem>>
      %dma_wait3A_372 = arith.constant 64 : i32
      %dma_wait3A_373 = tpu.memref_slice %arg2[%add3A_295, %dma_wait3A_372] : memref<40000x128xf32, #tpu.memory_space<hbm>> -> memref<125x16xf32, #tpu.memory_space<hbm>>
      tpu.wait_dma2 semaphore(%arg9 : memref<!tpu.dma_semaphore, #tpu.memory_space<semaphore_mem>>) src(%dma_wait3A_373 : memref<125x16xf32, #tpu.memory_space<hbm>>) dst(%dma_wait3A_371 : memref<125x16xf32, #tpu.memory_space<vmem>>)
      %dma_wait3A_374 = arith.constant 0 : i32
      %dma_wait3A_375 = arith.constant 5 : i32
      %dma_wait3A_376 = arith.constant 0 : i32
      %dma_wait3A_377 = arith.constant 0 : i32
      %dma_wait3A_378 = tpu.memref_slice %arg6[%dma_wait3A_374, %dma_wait3A_375, %dma_wait3A_376, %dma_wait3A_377] : memref<2x8x125x16xf32, #tpu.memory_space<vmem>> -> memref<1x1x125x16xf32, #tpu.memory_space<vmem>>
      %dma_wait3A_379 = tpu.memref_squeeze %dma_wait3A_378 : memref<1x1x125x16xf32, #tpu.memory_space<vmem>> -> memref<125x16xf32, #tpu.memory_space<vmem>>
      %dma_wait3A_380 = arith.constant 80 : i32
      %dma_wait3A_381 = tpu.memref_slice %arg2[%add3A_298, %dma_wait3A_380] : memref<40000x128xf32, #tpu.memory_space<hbm>> -> memref<125x16xf32, #tpu.memory_space<hbm>>
      %dma_wait3A_382 = arith.constant 0 : i32
      %dma_wait3A_383 = arith.constant 0 : i32
      %dma_wait3A_384 = tpu.memref_slice %arg6[%dma_wait3A_374, %dma_wait3A_375, %dma_wait3A_382, %dma_wait3A_383] : memref<2x8x125x16xf32, #tpu.memory_space<vmem>> -> memref<1x1x125x16xf32, #tpu.memory_space<vmem>>
      %dma_wait3A_385 = tpu.memref_squeeze %dma_wait3A_384 : memref<1x1x125x16xf32, #tpu.memory_space<vmem>> -> memref<125x16xf32, #tpu.memory_space<vmem>>
      %dma_wait3A_386 = arith.constant 80 : i32
      %dma_wait3A_387 = tpu.memref_slice %arg2[%add3A_298, %dma_wait3A_386] : memref<40000x128xf32, #tpu.memory_space<hbm>> -> memref<125x16xf32, #tpu.memory_space<hbm>>
      tpu.wait_dma2 semaphore(%arg9 : memref<!tpu.dma_semaphore, #tpu.memory_space<semaphore_mem>>) src(%dma_wait3A_387 : memref<125x16xf32, #tpu.memory_space<hbm>>) dst(%dma_wait3A_385 : memref<125x16xf32, #tpu.memory_space<vmem>>)
      %dma_wait3A_388 = arith.constant 0 : i32
      %dma_wait3A_389 = arith.constant 6 : i32
      %dma_wait3A_390 = arith.constant 0 : i32
      %dma_wait3A_391 = arith.constant 0 : i32
      %dma_wait3A_392 = tpu.memref_slice %arg6[%dma_wait3A_388, %dma_wait3A_389, %dma_wait3A_390, %dma_wait3A_391] : memref<2x8x125x16xf32, #tpu.memory_space<vmem>> -> memref<1x1x125x16xf32, #tpu.memory_space<vmem>>
      %dma_wait3A_393 = tpu.memref_squeeze %dma_wait3A_392 : memref<1x1x125x16xf32, #tpu.memory_space<vmem>> -> memref<125x16xf32, #tpu.memory_space<vmem>>
      %dma_wait3A_394 = arith.constant 96 : i32
      %dma_wait3A_395 = tpu.memref_slice %arg2[%add3A_301, %dma_wait3A_394] : memref<40000x128xf32, #tpu.memory_space<hbm>> -> memref<125x16xf32, #tpu.memory_space<hbm>>
      %dma_wait3A_396 = arith.constant 0 : i32
      %dma_wait3A_397 = arith.constant 0 : i32
      %dma_wait3A_398 = tpu.memref_slice %arg6[%dma_wait3A_388, %dma_wait3A_389, %dma_wait3A_396, %dma_wait3A_397] : memref<2x8x125x16xf32, #tpu.memory_space<vmem>> -> memref<1x1x125x16xf32, #tpu.memory_space<vmem>>
      %dma_wait3A_399 = tpu.memref_squeeze %dma_wait3A_398 : memref<1x1x125x16xf32, #tpu.memory_space<vmem>> -> memref<125x16xf32, #tpu.memory_space<vmem>>
      %dma_wait3A_400 = arith.constant 96 : i32
      %dma_wait3A_401 = tpu.memref_slice %arg2[%add3A_301, %dma_wait3A_400] : memref<40000x128xf32, #tpu.memory_space<hbm>> -> memref<125x16xf32, #tpu.memory_space<hbm>>
      tpu.wait_dma2 semaphore(%arg9 : memref<!tpu.dma_semaphore, #tpu.memory_space<semaphore_mem>>) src(%dma_wait3A_401 : memref<125x16xf32, #tpu.memory_space<hbm>>) dst(%dma_wait3A_399 : memref<125x16xf32, #tpu.memory_space<vmem>>)
      %dma_wait3A_402 = arith.constant 0 : i32
      %dma_wait3A_403 = arith.constant 7 : i32
      %dma_wait3A_404 = arith.constant 0 : i32
      %dma_wait3A_405 = arith.constant 0 : i32
      %dma_wait3A_406 = tpu.memref_slice %arg6[%dma_wait3A_402, %dma_wait3A_403, %dma_wait3A_404, %dma_wait3A_405] : memref<2x8x125x16xf32, #tpu.memory_space<vmem>> -> memref<1x1x125x16xf32, #tpu.memory_space<vmem>>
      %dma_wait3A_407 = tpu.memref_squeeze %dma_wait3A_406 : memref<1x1x125x16xf32, #tpu.memory_space<vmem>> -> memref<125x16xf32, #tpu.memory_space<vmem>>
      %dma_wait3A_408 = arith.constant 112 : i32
      %dma_wait3A_409 = tpu.memref_slice %arg2[%add3A_304, %dma_wait3A_408] : memref<40000x128xf32, #tpu.memory_space<hbm>> -> memref<125x16xf32, #tpu.memory_space<hbm>>
      %dma_wait3A_410 = arith.constant 0 : i32
      %dma_wait3A_411 = arith.constant 0 : i32
      %dma_wait3A_412 = tpu.memref_slice %arg6[%dma_wait3A_402, %dma_wait3A_403, %dma_wait3A_410, %dma_wait3A_411] : memref<2x8x125x16xf32, #tpu.memory_space<vmem>> -> memref<1x1x125x16xf32, #tpu.memory_space<vmem>>
      %dma_wait3A_413 = tpu.memref_squeeze %dma_wait3A_412 : memref<1x1x125x16xf32, #tpu.memory_space<vmem>> -> memref<125x16xf32, #tpu.memory_space<vmem>>
      %dma_wait3A_414 = arith.constant 112 : i32
      %dma_wait3A_415 = tpu.memref_slice %arg2[%add3A_304, %dma_wait3A_414] : memref<40000x128xf32, #tpu.memory_space<hbm>> -> memref<125x16xf32, #tpu.memory_space<hbm>>
      tpu.wait_dma2 semaphore(%arg9 : memref<!tpu.dma_semaphore, #tpu.memory_space<semaphore_mem>>) src(%dma_wait3A_415 : memref<125x16xf32, #tpu.memory_space<hbm>>) dst(%dma_wait3A_413 : memref<125x16xf32, #tpu.memory_space<vmem>>)
      %dma_start3A_416 = arith.constant 0 : i32
      %dma_start3A_417 = arith.constant 0 : i32
      %dma_start3A_418 = arith.constant 0 : i32
      %dma_start3A_419 = arith.constant 0 : i32
      %dma_start3A_420 = arith.constant 0 : i32
      %dma_start3A_421 = tpu.memref_slice %arg6[%dma_start3A_416, %dma_start3A_417, %dma_start3A_419, %dma_start3A_420] : memref<2x8x125x16xf32, #tpu.memory_space<vmem>> -> memref<1x1x125x16xf32, #tpu.memory_space<vmem>>
      %dma_start3A_422 = tpu.memref_squeeze %dma_start3A_421 : memref<1x1x125x16xf32, #tpu.memory_space<vmem>> -> memref<125x16xf32, #tpu.memory_space<vmem>>
      %dma_start3A_423 = arith.constant 0 : i32
      %dma_start3A_424 = tpu.memref_slice %arg5[%add3A_280, %dma_start3A_418, %dma_start3A_423] : memref<10x8x125xi32, #tpu.memory_space<vmem>> -> memref<1x1x125xi32, #tpu.memory_space<vmem>>
      %dma_start3A_425 = tpu.memref_squeeze %dma_start3A_424 : memref<1x1x125xi32, #tpu.memory_space<vmem>> -> memref<125xi32, #tpu.memory_space<vmem>>
      %dma_start3A_426 = arith.constant 0 : i32
      %dma_start3A_427 = arith.constant 0 : i32
      %dma_start3A_428 = tpu.memref_slice %arg8[%dma_start3A_426, %dma_start3A_427] : memref<10112x16xf32, #tpu.memory_space<vmem_shared>> -> memref<10112x16xf32, #tpu.memory_space<vmem_shared>>
      tpu.enqueue_indirect_dma source(%dma_start3A_422 : memref<125x16xf32, #tpu.memory_space<vmem>>) target(%dma_start3A_428 : memref<10112x16xf32, #tpu.memory_space<vmem_shared>>) offsets(%dma_start3A_425 : memref<125xi32, #tpu.memory_space<vmem>>) semaphore(%arg11 : memref<!tpu.dma_semaphore, #tpu.memory_space<semaphore_mem>>) {add = true}
      %dma_start3A_429 = arith.constant 0 : i32
      %dma_start3A_430 = arith.constant 1 : i32
      %dma_start3A_431 = arith.constant 1 : i32
      %dma_start3A_432 = arith.constant 0 : i32
      %dma_start3A_433 = arith.constant 0 : i32
      %dma_start3A_434 = tpu.memref_slice %arg6[%dma_start3A_429, %dma_start3A_430, %dma_start3A_432, %dma_start3A_433] : memref<2x8x125x16xf32, #tpu.memory_space<vmem>> -> memref<1x1x125x16xf32, #tpu.memory_space<vmem>>
      %dma_start3A_435 = tpu.memref_squeeze %dma_start3A_434 : memref<1x1x125x16xf32, #tpu.memory_space<vmem>> -> memref<125x16xf32, #tpu.memory_space<vmem>>
      %dma_start3A_436 = arith.constant 0 : i32
      %dma_start3A_437 = tpu.memref_slice %arg5[%add3A_280, %dma_start3A_431, %dma_start3A_436] : memref<10x8x125xi32, #tpu.memory_space<vmem>> -> memref<1x1x125xi32, #tpu.memory_space<vmem>>
      %dma_start3A_438 = tpu.memref_squeeze %dma_start3A_437 : memref<1x1x125xi32, #tpu.memory_space<vmem>> -> memref<125xi32, #tpu.memory_space<vmem>>
      %dma_start3A_439 = arith.constant 0 : i32
      %dma_start3A_440 = arith.constant 0 : i32
      %dma_start3A_441 = tpu.memref_slice %arg8[%dma_start3A_439, %dma_start3A_440] : memref<10112x16xf32, #tpu.memory_space<vmem_shared>> -> memref<10112x16xf32, #tpu.memory_space<vmem_shared>>
      tpu.enqueue_indirect_dma source(%dma_start3A_435 : memref<125x16xf32, #tpu.memory_space<vmem>>) target(%dma_start3A_441 : memref<10112x16xf32, #tpu.memory_space<vmem_shared>>) offsets(%dma_start3A_438 : memref<125xi32, #tpu.memory_space<vmem>>) semaphore(%arg11 : memref<!tpu.dma_semaphore, #tpu.memory_space<semaphore_mem>>) {add = true}
      %dma_start3A_442 = arith.constant 0 : i32
      %dma_start3A_443 = arith.constant 2 : i32
      %dma_start3A_444 = arith.constant 2 : i32
      %dma_start3A_445 = arith.constant 0 : i32
      %dma_start3A_446 = arith.constant 0 : i32
      %dma_start3A_447 = tpu.memref_slice %arg6[%dma_start3A_442, %dma_start3A_443, %dma_start3A_445, %dma_start3A_446] : memref<2x8x125x16xf32, #tpu.memory_space<vmem>> -> memref<1x1x125x16xf32, #tpu.memory_space<vmem>>
      %dma_start3A_448 = tpu.memref_squeeze %dma_start3A_447 : memref<1x1x125x16xf32, #tpu.memory_space<vmem>> -> memref<125x16xf32, #tpu.memory_space<vmem>>
      %dma_start3A_449 = arith.constant 0 : i32
      %dma_start3A_450 = tpu.memref_slice %arg5[%add3A_280, %dma_start3A_444, %dma_start3A_449] : memref<10x8x125xi32, #tpu.memory_space<vmem>> -> memref<1x1x125xi32, #tpu.memory_space<vmem>>
      %dma_start3A_451 = tpu.memref_squeeze %dma_start3A_450 : memref<1x1x125xi32, #tpu.memory_space<vmem>> -> memref<125xi32, #tpu.memory_space<vmem>>
      %dma_start3A_452 = arith.constant 0 : i32
      %dma_start3A_453 = arith.constant 0 : i32
      %dma_start3A_454 = tpu.memref_slice %arg8[%dma_start3A_452, %dma_start3A_453] : memref<10112x16xf32, #tpu.memory_space<vmem_shared>> -> memref<10112x16xf32, #tpu.memory_space<vmem_shared>>
      tpu.enqueue_indirect_dma source(%dma_start3A_448 : memref<125x16xf32, #tpu.memory_space<vmem>>) target(%dma_start3A_454 : memref<10112x16xf32, #tpu.memory_space<vmem_shared>>) offsets(%dma_start3A_451 : memref<125xi32, #tpu.memory_space<vmem>>) semaphore(%arg11 : memref<!tpu.dma_semaphore, #tpu.memory_space<semaphore_mem>>) {add = true}
      %dma_start3A_455 = arith.constant 0 : i32
      %dma_start3A_456 = arith.constant 3 : i32
      %dma_start3A_457 = arith.constant 3 : i32
      %dma_start3A_458 = arith.constant 0 : i32
      %dma_start3A_459 = arith.constant 0 : i32
      %dma_start3A_460 = tpu.memref_slice %arg6[%dma_start3A_455, %dma_start3A_456, %dma_start3A_458, %dma_start3A_459] : memref<2x8x125x16xf32, #tpu.memory_space<vmem>> -> memref<1x1x125x16xf32, #tpu.memory_space<vmem>>
      %dma_start3A_461 = tpu.memref_squeeze %dma_start3A_460 : memref<1x1x125x16xf32, #tpu.memory_space<vmem>> -> memref<125x16xf32, #tpu.memory_space<vmem>>
      %dma_start3A_462 = arith.constant 0 : i32
      %dma_start3A_463 = tpu.memref_slice %arg5[%add3A_280, %dma_start3A_457, %dma_start3A_462] : memref<10x8x125xi32, #tpu.memory_space<vmem>> -> memref<1x1x125xi32, #tpu.memory_space<vmem>>
      %dma_start3A_464 = tpu.memref_squeeze %dma_start3A_463 : memref<1x1x125xi32, #tpu.memory_space<vmem>> -> memref<125xi32, #tpu.memory_space<vmem>>
      %dma_start3A_465 = arith.constant 0 : i32
      %dma_start3A_466 = arith.constant 0 : i32
      %dma_start3A_467 = tpu.memref_slice %arg8[%dma_start3A_465, %dma_start3A_466] : memref<10112x16xf32, #tpu.memory_space<vmem_shared>> -> memref<10112x16xf32, #tpu.memory_space<vmem_shared>>
      tpu.enqueue_indirect_dma source(%dma_start3A_461 : memref<125x16xf32, #tpu.memory_space<vmem>>) target(%dma_start3A_467 : memref<10112x16xf32, #tpu.memory_space<vmem_shared>>) offsets(%dma_start3A_464 : memref<125xi32, #tpu.memory_space<vmem>>) semaphore(%arg11 : memref<!tpu.dma_semaphore, #tpu.memory_space<semaphore_mem>>) {add = true}
      %dma_start3A_468 = arith.constant 0 : i32
      %dma_start3A_469 = arith.constant 4 : i32
      %dma_start3A_470 = arith.constant 4 : i32
      %dma_start3A_471 = arith.constant 0 : i32
      %dma_start3A_472 = arith.constant 0 : i32
      %dma_start3A_473 = tpu.memref_slice %arg6[%dma_start3A_468, %dma_start3A_469, %dma_start3A_471, %dma_start3A_472] : memref<2x8x125x16xf32, #tpu.memory_space<vmem>> -> memref<1x1x125x16xf32, #tpu.memory_space<vmem>>
      %dma_start3A_474 = tpu.memref_squeeze %dma_start3A_473 : memref<1x1x125x16xf32, #tpu.memory_space<vmem>> -> memref<125x16xf32, #tpu.memory_space<vmem>>
      %dma_start3A_475 = arith.constant 0 : i32
      %dma_start3A_476 = tpu.memref_slice %arg5[%add3A_280, %dma_start3A_470, %dma_start3A_475] : memref<10x8x125xi32, #tpu.memory_space<vmem>> -> memref<1x1x125xi32, #tpu.memory_space<vmem>>
      %dma_start3A_477 = tpu.memref_squeeze %dma_start3A_476 : memref<1x1x125xi32, #tpu.memory_space<vmem>> -> memref<125xi32, #tpu.memory_space<vmem>>
      %dma_start3A_478 = arith.constant 0 : i32
      %dma_start3A_479 = arith.constant 0 : i32
      %dma_start3A_480 = tpu.memref_slice %arg8[%dma_start3A_478, %dma_start3A_479] : memref<10112x16xf32, #tpu.memory_space<vmem_shared>> -> memref<10112x16xf32, #tpu.memory_space<vmem_shared>>
      tpu.enqueue_indirect_dma source(%dma_start3A_474 : memref<125x16xf32, #tpu.memory_space<vmem>>) target(%dma_start3A_480 : memref<10112x16xf32, #tpu.memory_space<vmem_shared>>) offsets(%dma_start3A_477 : memref<125xi32, #tpu.memory_space<vmem>>) semaphore(%arg11 : memref<!tpu.dma_semaphore, #tpu.memory_space<semaphore_mem>>) {add = true}
      %dma_start3A_481 = arith.constant 0 : i32
      %dma_start3A_482 = arith.constant 5 : i32
      %dma_start3A_483 = arith.constant 5 : i32
      %dma_start3A_484 = arith.constant 0 : i32
      %dma_start3A_485 = arith.constant 0 : i32
      %dma_start3A_486 = tpu.memref_slice %arg6[%dma_start3A_481, %dma_start3A_482, %dma_start3A_484, %dma_start3A_485] : memref<2x8x125x16xf32, #tpu.memory_space<vmem>> -> memref<1x1x125x16xf32, #tpu.memory_space<vmem>>
      %dma_start3A_487 = tpu.memref_squeeze %dma_start3A_486 : memref<1x1x125x16xf32, #tpu.memory_space<vmem>> -> memref<125x16xf32, #tpu.memory_space<vmem>>
      %dma_start3A_488 = arith.constant 0 : i32
      %dma_start3A_489 = tpu.memref_slice %arg5[%add3A_280, %dma_start3A_483, %dma_start3A_488] : memref<10x8x125xi32, #tpu.memory_space<vmem>> -> memref<1x1x125xi32, #tpu.memory_space<vmem>>
      %dma_start3A_490 = tpu.memref_squeeze %dma_start3A_489 : memref<1x1x125xi32, #tpu.memory_space<vmem>> -> memref<125xi32, #tpu.memory_space<vmem>>
      %dma_start3A_491 = arith.constant 0 : i32
      %dma_start3A_492 = arith.constant 0 : i32
      %dma_start3A_493 = tpu.memref_slice %arg8[%dma_start3A_491, %dma_start3A_492] : memref<10112x16xf32, #tpu.memory_space<vmem_shared>> -> memref<10112x16xf32, #tpu.memory_space<vmem_shared>>
      tpu.enqueue_indirect_dma source(%dma_start3A_487 : memref<125x16xf32, #tpu.memory_space<vmem>>) target(%dma_start3A_493 : memref<10112x16xf32, #tpu.memory_space<vmem_shared>>) offsets(%dma_start3A_490 : memref<125xi32, #tpu.memory_space<vmem>>) semaphore(%arg11 : memref<!tpu.dma_semaphore, #tpu.memory_space<semaphore_mem>>) {add = true}
      %dma_start3A_494 = arith.constant 0 : i32
      %dma_start3A_495 = arith.constant 6 : i32
      %dma_start3A_496 = arith.constant 6 : i32
      %dma_start3A_497 = arith.constant 0 : i32
      %dma_start3A_498 = arith.constant 0 : i32
      %dma_start3A_499 = tpu.memref_slice %arg6[%dma_start3A_494, %dma_start3A_495, %dma_start3A_497, %dma_start3A_498] : memref<2x8x125x16xf32, #tpu.memory_space<vmem>> -> memref<1x1x125x16xf32, #tpu.memory_space<vmem>>
      %dma_start3A_500 = tpu.memref_squeeze %dma_start3A_499 : memref<1x1x125x16xf32, #tpu.memory_space<vmem>> -> memref<125x16xf32, #tpu.memory_space<vmem>>
      %dma_start3A_501 = arith.constant 0 : i32
      %dma_start3A_502 = tpu.memref_slice %arg5[%add3A_280, %dma_start3A_496, %dma_start3A_501] : memref<10x8x125xi32, #tpu.memory_space<vmem>> -> memref<1x1x125xi32, #tpu.memory_space<vmem>>
      %dma_start3A_503 = tpu.memref_squeeze %dma_start3A_502 : memref<1x1x125xi32, #tpu.memory_space<vmem>> -> memref<125xi32, #tpu.memory_space<vmem>>
      %dma_start3A_504 = arith.constant 0 : i32
      %dma_start3A_505 = arith.constant 0 : i32
      %dma_start3A_506 = tpu.memref_slice %arg8[%dma_start3A_504, %dma_start3A_505] : memref<10112x16xf32, #tpu.memory_space<vmem_shared>> -> memref<10112x16xf32, #tpu.memory_space<vmem_shared>>
      tpu.enqueue_indirect_dma source(%dma_start3A_500 : memref<125x16xf32, #tpu.memory_space<vmem>>) target(%dma_start3A_506 : memref<10112x16xf32, #tpu.memory_space<vmem_shared>>) offsets(%dma_start3A_503 : memref<125xi32, #tpu.memory_space<vmem>>) semaphore(%arg11 : memref<!tpu.dma_semaphore, #tpu.memory_space<semaphore_mem>>) {add = true}
      %dma_start3A_507 = arith.constant 0 : i32
      %dma_start3A_508 = arith.constant 7 : i32
      %dma_start3A_509 = arith.constant 7 : i32
      %dma_start3A_510 = arith.constant 0 : i32
      %dma_start3A_511 = arith.constant 0 : i32
      %dma_start3A_512 = tpu.memref_slice %arg6[%dma_start3A_507, %dma_start3A_508, %dma_start3A_510, %dma_start3A_511] : memref<2x8x125x16xf32, #tpu.memory_space<vmem>> -> memref<1x1x125x16xf32, #tpu.memory_space<vmem>>
      %dma_start3A_513 = tpu.memref_squeeze %dma_start3A_512 : memref<1x1x125x16xf32, #tpu.memory_space<vmem>> -> memref<125x16xf32, #tpu.memory_space<vmem>>
      %dma_start3A_514 = arith.constant 0 : i32
      %dma_start3A_515 = tpu.memref_slice %arg5[%add3A_280, %dma_start3A_509, %dma_start3A_514] : memref<10x8x125xi32, #tpu.memory_space<vmem>> -> memref<1x1x125xi32, #tpu.memory_space<vmem>>
      %dma_start3A_516 = tpu.memref_squeeze %dma_start3A_515 : memref<1x1x125xi32, #tpu.memory_space<vmem>> -> memref<125xi32, #tpu.memory_space<vmem>>
      %dma_start3A_517 = arith.constant 0 : i32
      %dma_start3A_518 = arith.constant 0 : i32
      %dma_start3A_519 = tpu.memref_slice %arg8[%dma_start3A_517, %dma_start3A_518] : memref<10112x16xf32, #tpu.memory_space<vmem_shared>> -> memref<10112x16xf32, #tpu.memory_space<vmem_shared>>
      tpu.enqueue_indirect_dma source(%dma_start3A_513 : memref<125x16xf32, #tpu.memory_space<vmem>>) target(%dma_start3A_519 : memref<10112x16xf32, #tpu.memory_space<vmem_shared>>) offsets(%dma_start3A_516 : memref<125xi32, #tpu.memory_space<vmem>>) semaphore(%arg11 : memref<!tpu.dma_semaphore, #tpu.memory_space<semaphore_mem>>) {add = true}
      %dma_wait3A_520 = arith.constant 0 : i32
      %dma_wait3A_521 = arith.constant 0 : i32
      %dma_wait3A_522 = arith.constant 0 : i32
      %dma_wait3A_523 = arith.constant 0 : i32
      %dma_wait3A_524 = arith.constant 0 : i32
      %dma_wait3A_525 = tpu.memref_slice %arg6[%dma_wait3A_520, %dma_wait3A_521, %dma_wait3A_523, %dma_wait3A_524] : memref<2x8x125x16xf32, #tpu.memory_space<vmem>> -> memref<1x1x125x16xf32, #tpu.memory_space<vmem>>
      %dma_wait3A_526 = tpu.memref_squeeze %dma_wait3A_525 : memref<1x1x125x16xf32, #tpu.memory_space<vmem>> -> memref<125x16xf32, #tpu.memory_space<vmem>>
      %dma_wait3A_527 = arith.constant 0 : i32
      %dma_wait3A_528 = tpu.memref_slice %arg5[%add3A_280, %dma_wait3A_522, %dma_wait3A_527] : memref<10x8x125xi32, #tpu.memory_space<vmem>> -> memref<1x1x125xi32, #tpu.memory_space<vmem>>
      %dma_wait3A_529 = tpu.memref_squeeze %dma_wait3A_528 : memref<1x1x125xi32, #tpu.memory_space<vmem>> -> memref<125xi32, #tpu.memory_space<vmem>>
      %dma_wait3A_530 = arith.constant 0 : i32
      %dma_wait3A_531 = arith.constant 0 : i32
      %dma_wait3A_532 = tpu.memref_slice %arg8[%dma_wait3A_530, %dma_wait3A_531] : memref<10112x16xf32, #tpu.memory_space<vmem_shared>> -> memref<10112x16xf32, #tpu.memory_space<vmem_shared>>
      tpu.wait_indirect_dma semaphore(%arg11 : memref<!tpu.dma_semaphore, #tpu.memory_space<semaphore_mem>>) src(%dma_wait3A_526 : memref<125x16xf32, #tpu.memory_space<vmem>>) dst(%dma_wait3A_532 : memref<10112x16xf32, #tpu.memory_space<vmem_shared>>)
      %dma_wait3A_533 = arith.constant 0 : i32
      %dma_wait3A_534 = arith.constant 1 : i32
      %dma_wait3A_535 = arith.constant 1 : i32
      %dma_wait3A_536 = arith.constant 0 : i32
      %dma_wait3A_537 = arith.constant 0 : i32
      %dma_wait3A_538 = tpu.memref_slice %arg6[%dma_wait3A_533, %dma_wait3A_534, %dma_wait3A_536, %dma_wait3A_537] : memref<2x8x125x16xf32, #tpu.memory_space<vmem>> -> memref<1x1x125x16xf32, #tpu.memory_space<vmem>>
      %dma_wait3A_539 = tpu.memref_squeeze %dma_wait3A_538 : memref<1x1x125x16xf32, #tpu.memory_space<vmem>> -> memref<125x16xf32, #tpu.memory_space<vmem>>
      %dma_wait3A_540 = arith.constant 0 : i32
      %dma_wait3A_541 = tpu.memref_slice %arg5[%add3A_280, %dma_wait3A_535, %dma_wait3A_540] : memref<10x8x125xi32, #tpu.memory_space<vmem>> -> memref<1x1x125xi32, #tpu.memory_space<vmem>>
      %dma_wait3A_542 = tpu.memref_squeeze %dma_wait3A_541 : memref<1x1x125xi32, #tpu.memory_space<vmem>> -> memref<125xi32, #tpu.memory_space<vmem>>
      %dma_wait3A_543 = arith.constant 0 : i32
      %dma_wait3A_544 = arith.constant 0 : i32
      %dma_wait3A_545 = tpu.memref_slice %arg8[%dma_wait3A_543, %dma_wait3A_544] : memref<10112x16xf32, #tpu.memory_space<vmem_shared>> -> memref<10112x16xf32, #tpu.memory_space<vmem_shared>>
      tpu.wait_indirect_dma semaphore(%arg11 : memref<!tpu.dma_semaphore, #tpu.memory_space<semaphore_mem>>) src(%dma_wait3A_539 : memref<125x16xf32, #tpu.memory_space<vmem>>) dst(%dma_wait3A_545 : memref<10112x16xf32, #tpu.memory_space<vmem_shared>>)
      %dma_wait3A_546 = arith.constant 0 : i32
      %dma_wait3A_547 = arith.constant 2 : i32
      %dma_wait3A_548 = arith.constant 2 : i32
      %dma_wait3A_549 = arith.constant 0 : i32
      %dma_wait3A_550 = arith.constant 0 : i32
      %dma_wait3A_551 = tpu.memref_slice %arg6[%dma_wait3A_546, %dma_wait3A_547, %dma_wait3A_549, %dma_wait3A_550] : memref<2x8x125x16xf32, #tpu.memory_space<vmem>> -> memref<1x1x125x16xf32, #tpu.memory_space<vmem>>
      %dma_wait3A_552 = tpu.memref_squeeze %dma_wait3A_551 : memref<1x1x125x16xf32, #tpu.memory_space<vmem>> -> memref<125x16xf32, #tpu.memory_space<vmem>>
      %dma_wait3A_553 = arith.constant 0 : i32
      %dma_wait3A_554 = tpu.memref_slice %arg5[%add3A_280, %dma_wait3A_548, %dma_wait3A_553] : memref<10x8x125xi32, #tpu.memory_space<vmem>> -> memref<1x1x125xi32, #tpu.memory_space<vmem>>
      %dma_wait3A_555 = tpu.memref_squeeze %dma_wait3A_554 : memref<1x1x125xi32, #tpu.memory_space<vmem>> -> memref<125xi32, #tpu.memory_space<vmem>>
      %dma_wait3A_556 = arith.constant 0 : i32
      %dma_wait3A_557 = arith.constant 0 : i32
      %dma_wait3A_558 = tpu.memref_slice %arg8[%dma_wait3A_556, %dma_wait3A_557] : memref<10112x16xf32, #tpu.memory_space<vmem_shared>> -> memref<10112x16xf32, #tpu.memory_space<vmem_shared>>
      tpu.wait_indirect_dma semaphore(%arg11 : memref<!tpu.dma_semaphore, #tpu.memory_space<semaphore_mem>>) src(%dma_wait3A_552 : memref<125x16xf32, #tpu.memory_space<vmem>>) dst(%dma_wait3A_558 : memref<10112x16xf32, #tpu.memory_space<vmem_shared>>)
      %dma_wait3A_559 = arith.constant 0 : i32
      %dma_wait3A_560 = arith.constant 3 : i32
      %dma_wait3A_561 = arith.constant 3 : i32
      %dma_wait3A_562 = arith.constant 0 : i32
      %dma_wait3A_563 = arith.constant 0 : i32
      %dma_wait3A_564 = tpu.memref_slice %arg6[%dma_wait3A_559, %dma_wait3A_560, %dma_wait3A_562, %dma_wait3A_563] : memref<2x8x125x16xf32, #tpu.memory_space<vmem>> -> memref<1x1x125x16xf32, #tpu.memory_space<vmem>>
      %dma_wait3A_565 = tpu.memref_squeeze %dma_wait3A_564 : memref<1x1x125x16xf32, #tpu.memory_space<vmem>> -> memref<125x16xf32, #tpu.memory_space<vmem>>
      %dma_wait3A_566 = arith.constant 0 : i32
      %dma_wait3A_567 = tpu.memref_slice %arg5[%add3A_280, %dma_wait3A_561, %dma_wait3A_566] : memref<10x8x125xi32, #tpu.memory_space<vmem>> -> memref<1x1x125xi32, #tpu.memory_space<vmem>>
      %dma_wait3A_568 = tpu.memref_squeeze %dma_wait3A_567 : memref<1x1x125xi32, #tpu.memory_space<vmem>> -> memref<125xi32, #tpu.memory_space<vmem>>
      %dma_wait3A_569 = arith.constant 0 : i32
      %dma_wait3A_570 = arith.constant 0 : i32
      %dma_wait3A_571 = tpu.memref_slice %arg8[%dma_wait3A_569, %dma_wait3A_570] : memref<10112x16xf32, #tpu.memory_space<vmem_shared>> -> memref<10112x16xf32, #tpu.memory_space<vmem_shared>>
      tpu.wait_indirect_dma semaphore(%arg11 : memref<!tpu.dma_semaphore, #tpu.memory_space<semaphore_mem>>) src(%dma_wait3A_565 : memref<125x16xf32, #tpu.memory_space<vmem>>) dst(%dma_wait3A_571 : memref<10112x16xf32, #tpu.memory_space<vmem_shared>>)
      %dma_wait3A_572 = arith.constant 0 : i32
      %dma_wait3A_573 = arith.constant 4 : i32
      %dma_wait3A_574 = arith.constant 4 : i32
      %dma_wait3A_575 = arith.constant 0 : i32
      %dma_wait3A_576 = arith.constant 0 : i32
      %dma_wait3A_577 = tpu.memref_slice %arg6[%dma_wait3A_572, %dma_wait3A_573, %dma_wait3A_575, %dma_wait3A_576] : memref<2x8x125x16xf32, #tpu.memory_space<vmem>> -> memref<1x1x125x16xf32, #tpu.memory_space<vmem>>
      %dma_wait3A_578 = tpu.memref_squeeze %dma_wait3A_577 : memref<1x1x125x16xf32, #tpu.memory_space<vmem>> -> memref<125x16xf32, #tpu.memory_space<vmem>>
      %dma_wait3A_579 = arith.constant 0 : i32
      %dma_wait3A_580 = tpu.memref_slice %arg5[%add3A_280, %dma_wait3A_574, %dma_wait3A_579] : memref<10x8x125xi32, #tpu.memory_space<vmem>> -> memref<1x1x125xi32, #tpu.memory_space<vmem>>
      %dma_wait3A_581 = tpu.memref_squeeze %dma_wait3A_580 : memref<1x1x125xi32, #tpu.memory_space<vmem>> -> memref<125xi32, #tpu.memory_space<vmem>>
      %dma_wait3A_582 = arith.constant 0 : i32
      %dma_wait3A_583 = arith.constant 0 : i32
      %dma_wait3A_584 = tpu.memref_slice %arg8[%dma_wait3A_582, %dma_wait3A_583] : memref<10112x16xf32, #tpu.memory_space<vmem_shared>> -> memref<10112x16xf32, #tpu.memory_space<vmem_shared>>
      tpu.wait_indirect_dma semaphore(%arg11 : memref<!tpu.dma_semaphore, #tpu.memory_space<semaphore_mem>>) src(%dma_wait3A_578 : memref<125x16xf32, #tpu.memory_space<vmem>>) dst(%dma_wait3A_584 : memref<10112x16xf32, #tpu.memory_space<vmem_shared>>)
      %dma_wait3A_585 = arith.constant 0 : i32
      %dma_wait3A_586 = arith.constant 5 : i32
      %dma_wait3A_587 = arith.constant 5 : i32
      %dma_wait3A_588 = arith.constant 0 : i32
      %dma_wait3A_589 = arith.constant 0 : i32
      %dma_wait3A_590 = tpu.memref_slice %arg6[%dma_wait3A_585, %dma_wait3A_586, %dma_wait3A_588, %dma_wait3A_589] : memref<2x8x125x16xf32, #tpu.memory_space<vmem>> -> memref<1x1x125x16xf32, #tpu.memory_space<vmem>>
      %dma_wait3A_591 = tpu.memref_squeeze %dma_wait3A_590 : memref<1x1x125x16xf32, #tpu.memory_space<vmem>> -> memref<125x16xf32, #tpu.memory_space<vmem>>
      %dma_wait3A_592 = arith.constant 0 : i32
      %dma_wait3A_593 = tpu.memref_slice %arg5[%add3A_280, %dma_wait3A_587, %dma_wait3A_592] : memref<10x8x125xi32, #tpu.memory_space<vmem>> -> memref<1x1x125xi32, #tpu.memory_space<vmem>>
      %dma_wait3A_594 = tpu.memref_squeeze %dma_wait3A_593 : memref<1x1x125xi32, #tpu.memory_space<vmem>> -> memref<125xi32, #tpu.memory_space<vmem>>
      %dma_wait3A_595 = arith.constant 0 : i32
      %dma_wait3A_596 = arith.constant 0 : i32
      %dma_wait3A_597 = tpu.memref_slice %arg8[%dma_wait3A_595, %dma_wait3A_596] : memref<10112x16xf32, #tpu.memory_space<vmem_shared>> -> memref<10112x16xf32, #tpu.memory_space<vmem_shared>>
      tpu.wait_indirect_dma semaphore(%arg11 : memref<!tpu.dma_semaphore, #tpu.memory_space<semaphore_mem>>) src(%dma_wait3A_591 : memref<125x16xf32, #tpu.memory_space<vmem>>) dst(%dma_wait3A_597 : memref<10112x16xf32, #tpu.memory_space<vmem_shared>>)
      %dma_wait3A_598 = arith.constant 0 : i32
      %dma_wait3A_599 = arith.constant 6 : i32
      %dma_wait3A_600 = arith.constant 6 : i32
      %dma_wait3A_601 = arith.constant 0 : i32
      %dma_wait3A_602 = arith.constant 0 : i32
      %dma_wait3A_603 = tpu.memref_slice %arg6[%dma_wait3A_598, %dma_wait3A_599, %dma_wait3A_601, %dma_wait3A_602] : memref<2x8x125x16xf32, #tpu.memory_space<vmem>> -> memref<1x1x125x16xf32, #tpu.memory_space<vmem>>
      %dma_wait3A_604 = tpu.memref_squeeze %dma_wait3A_603 : memref<1x1x125x16xf32, #tpu.memory_space<vmem>> -> memref<125x16xf32, #tpu.memory_space<vmem>>
      %dma_wait3A_605 = arith.constant 0 : i32
      %dma_wait3A_606 = tpu.memref_slice %arg5[%add3A_280, %dma_wait3A_600, %dma_wait3A_605] : memref<10x8x125xi32, #tpu.memory_space<vmem>> -> memref<1x1x125xi32, #tpu.memory_space<vmem>>
      %dma_wait3A_607 = tpu.memref_squeeze %dma_wait3A_606 : memref<1x1x125xi32, #tpu.memory_space<vmem>> -> memref<125xi32, #tpu.memory_space<vmem>>
      %dma_wait3A_608 = arith.constant 0 : i32
      %dma_wait3A_609 = arith.constant 0 : i32
      %dma_wait3A_610 = tpu.memref_slice %arg8[%dma_wait3A_608, %dma_wait3A_609] : memref<10112x16xf32, #tpu.memory_space<vmem_shared>> -> memref<10112x16xf32, #tpu.memory_space<vmem_shared>>
      tpu.wait_indirect_dma semaphore(%arg11 : memref<!tpu.dma_semaphore, #tpu.memory_space<semaphore_mem>>) src(%dma_wait3A_604 : memref<125x16xf32, #tpu.memory_space<vmem>>) dst(%dma_wait3A_610 : memref<10112x16xf32, #tpu.memory_space<vmem_shared>>)
      %dma_wait3A_611 = arith.constant 0 : i32
      %dma_wait3A_612 = arith.constant 7 : i32
      %dma_wait3A_613 = arith.constant 7 : i32
      %dma_wait3A_614 = arith.constant 0 : i32
      %dma_wait3A_615 = arith.constant 0 : i32
      %dma_wait3A_616 = tpu.memref_slice %arg6[%dma_wait3A_611, %dma_wait3A_612, %dma_wait3A_614, %dma_wait3A_615] : memref<2x8x125x16xf32, #tpu.memory_space<vmem>> -> memref<1x1x125x16xf32, #tpu.memory_space<vmem>>
      %dma_wait3A_617 = tpu.memref_squeeze %dma_wait3A_616 : memref<1x1x125x16xf32, #tpu.memory_space<vmem>> -> memref<125x16xf32, #tpu.memory_space<vmem>>
      %dma_wait3A_618 = arith.constant 0 : i32
      %dma_wait3A_619 = tpu.memref_slice %arg5[%add3A_280, %dma_wait3A_613, %dma_wait3A_618] : memref<10x8x125xi32, #tpu.memory_space<vmem>> -> memref<1x1x125xi32, #tpu.memory_space<vmem>>
      %dma_wait3A_620 = tpu.memref_squeeze %dma_wait3A_619 : memref<1x1x125xi32, #tpu.memory_space<vmem>> -> memref<125xi32, #tpu.memory_space<vmem>>
      %dma_wait3A_621 = arith.constant 0 : i32
      %dma_wait3A_622 = arith.constant 0 : i32
      %dma_wait3A_623 = tpu.memref_slice %arg8[%dma_wait3A_621, %dma_wait3A_622] : memref<10112x16xf32, #tpu.memory_space<vmem_shared>> -> memref<10112x16xf32, #tpu.memory_space<vmem_shared>>
      tpu.wait_indirect_dma semaphore(%arg11 : memref<!tpu.dma_semaphore, #tpu.memory_space<semaphore_mem>>) src(%dma_wait3A_617 : memref<125x16xf32, #tpu.memory_space<vmem>>) dst(%dma_wait3A_623 : memref<10112x16xf32, #tpu.memory_space<vmem_shared>>)
      %add3A_624 = arith.constant 2 : i32
      %add3A_625 = arith.addi %add3A_280, %add3A_624 : i32
      %lt3A = arith.constant 10 : i32
      %lt3A_626 = arith.cmpi slt, %add3A_625, %lt3A : i32
      %convert_element_type3A = arith.extui %lt3A_626 : i1 to i32
      %cond3A = arith.constant 0 : i32
      %cond3A_627 = arith.cmpi ne, %convert_element_type3A, %cond3A : i32
      scf.if %cond3A_627 {
        %add3A_981 = arith.constant 2 : i32
        %add3A_982 = arith.addi %add3A_280, %add3A_981 : i32
        %mul3A_983 = arith.constant 125 : i32
        %mul3A_984 = arith.muli %add3A_982, %mul3A_983 : i32
        %add3A_985 = arith.addi %mul3A_2, %mul3A_984 : i32
        %mul3A_986 = arith.constant 125 : i32
        %mul3A_987 = arith.muli %add3A_982, %mul3A_986 : i32
        %add3A_988 = arith.addi %mul3A_2, %mul3A_987 : i32
        %mul3A_989 = arith.constant 125 : i32
        %mul3A_990 = arith.muli %add3A_982, %mul3A_989 : i32
        %add3A_991 = arith.addi %mul3A_2, %mul3A_990 : i32
        %mul3A_992 = arith.constant 125 : i32
        %mul3A_993 = arith.muli %add3A_982, %mul3A_992 : i32
        %add3A_994 = arith.addi %mul3A_2, %mul3A_993 : i32
        %mul3A_995 = arith.constant 125 : i32
        %mul3A_996 = arith.muli %add3A_982, %mul3A_995 : i32
        %add3A_997 = arith.addi %mul3A_2, %mul3A_996 : i32
        %mul3A_998 = arith.constant 125 : i32
        %mul3A_999 = arith.muli %add3A_982, %mul3A_998 : i32
        %add3A_1000 = arith.addi %mul3A_2, %mul3A_999 : i32
        %mul3A_1001 = arith.constant 125 : i32
        %mul3A_1002 = arith.muli %add3A_982, %mul3A_1001 : i32
        %add3A_1003 = arith.addi %mul3A_2, %mul3A_1002 : i32
        %mul3A_1004 = arith.constant 125 : i32
        %mul3A_1005 = arith.muli %add3A_982, %mul3A_1004 : i32
        %add3A_1006 = arith.addi %mul3A_2, %mul3A_1005 : i32
        %dma_start3A_1007 = arith.constant 0 : i32
        %dma_start3A_1008 = arith.constant 0 : i32
        %dma_start3A_1009 = arith.constant 0 : i32
        %dma_start3A_1010 = arith.constant 0 : i32
        %dma_start3A_1011 = tpu.memref_slice %arg6[%dma_start3A_1007, %dma_start3A_1008, %dma_start3A_1009, %dma_start3A_1010] : memref<2x8x125x16xf32, #tpu.memory_space<vmem>> -> memref<1x1x125x16xf32, #tpu.memory_space<vmem>>
        %dma_start3A_1012 = tpu.memref_squeeze %dma_start3A_1011 : memref<1x1x125x16xf32, #tpu.memory_space<vmem>> -> memref<125x16xf32, #tpu.memory_space<vmem>>
        %dma_start3A_1013 = arith.constant 0 : i32
        %dma_start3A_1014 = tpu.memref_slice %arg2[%add3A_985, %dma_start3A_1013] : memref<40000x128xf32, #tpu.memory_space<hbm>> -> memref<125x16xf32, #tpu.memory_space<hbm>>
        %dma_start3A_1015 = arith.constant 0 : i32
        %dma_start3A_1016 = arith.constant 0 : i32
        %dma_start3A_1017 = tpu.memref_slice %arg6[%dma_start3A_1007, %dma_start3A_1008, %dma_start3A_1015, %dma_start3A_1016] : memref<2x8x125x16xf32, #tpu.memory_space<vmem>> -> memref<1x1x125x16xf32, #tpu.memory_space<vmem>>
        %dma_start3A_1018 = tpu.memref_squeeze %dma_start3A_1017 : memref<1x1x125x16xf32, #tpu.memory_space<vmem>> -> memref<125x16xf32, #tpu.memory_space<vmem>>
        %dma_start3A_1019 = arith.constant 0 : i32
        %dma_start3A_1020 = tpu.memref_slice %arg2[%add3A_985, %dma_start3A_1019] : memref<40000x128xf32, #tpu.memory_space<hbm>> -> memref<125x16xf32, #tpu.memory_space<hbm>>
        tpu.enqueue_dma source(%dma_start3A_1020 : memref<125x16xf32, #tpu.memory_space<hbm>>) target(%dma_start3A_1018 : memref<125x16xf32, #tpu.memory_space<vmem>>) target_semaphore(%arg9 : memref<!tpu.dma_semaphore, #tpu.memory_space<semaphore_mem>>)
        %dma_start3A_1021 = arith.constant 0 : i32
        %dma_start3A_1022 = arith.constant 1 : i32
        %dma_start3A_1023 = arith.constant 0 : i32
        %dma_start3A_1024 = arith.constant 0 : i32
        %dma_start3A_1025 = tpu.memref_slice %arg6[%dma_start3A_1021, %dma_start3A_1022, %dma_start3A_1023, %dma_start3A_1024] : memref<2x8x125x16xf32, #tpu.memory_space<vmem>> -> memref<1x1x125x16xf32, #tpu.memory_space<vmem>>
        %dma_start3A_1026 = tpu.memref_squeeze %dma_start3A_1025 : memref<1x1x125x16xf32, #tpu.memory_space<vmem>> -> memref<125x16xf32, #tpu.memory_space<vmem>>
        %dma_start3A_1027 = arith.constant 16 : i32
        %dma_start3A_1028 = tpu.memref_slice %arg2[%add3A_988, %dma_start3A_1027] : memref<40000x128xf32, #tpu.memory_space<hbm>> -> memref<125x16xf32, #tpu.memory_space<hbm>>
        %dma_start3A_1029 = arith.constant 0 : i32
        %dma_start3A_1030 = arith.constant 0 : i32
        %dma_start3A_1031 = tpu.memref_slice %arg6[%dma_start3A_1021, %dma_start3A_1022, %dma_start3A_1029, %dma_start3A_1030] : memref<2x8x125x16xf32, #tpu.memory_space<vmem>> -> memref<1x1x125x16xf32, #tpu.memory_space<vmem>>
        %dma_start3A_1032 = tpu.memref_squeeze %dma_start3A_1031 : memref<1x1x125x16xf32, #tpu.memory_space<vmem>> -> memref<125x16xf32, #tpu.memory_space<vmem>>
        %dma_start3A_1033 = arith.constant 16 : i32
        %dma_start3A_1034 = tpu.memref_slice %arg2[%add3A_988, %dma_start3A_1033] : memref<40000x128xf32, #tpu.memory_space<hbm>> -> memref<125x16xf32, #tpu.memory_space<hbm>>
        tpu.enqueue_dma source(%dma_start3A_1034 : memref<125x16xf32, #tpu.memory_space<hbm>>) target(%dma_start3A_1032 : memref<125x16xf32, #tpu.memory_space<vmem>>) target_semaphore(%arg9 : memref<!tpu.dma_semaphore, #tpu.memory_space<semaphore_mem>>)
        %dma_start3A_1035 = arith.constant 0 : i32
        %dma_start3A_1036 = arith.constant 2 : i32
        %dma_start3A_1037 = arith.constant 0 : i32
        %dma_start3A_1038 = arith.constant 0 : i32
        %dma_start3A_1039 = tpu.memref_slice %arg6[%dma_start3A_1035, %dma_start3A_1036, %dma_start3A_1037, %dma_start3A_1038] : memref<2x8x125x16xf32, #tpu.memory_space<vmem>> -> memref<1x1x125x16xf32, #tpu.memory_space<vmem>>
        %dma_start3A_1040 = tpu.memref_squeeze %dma_start3A_1039 : memref<1x1x125x16xf32, #tpu.memory_space<vmem>> -> memref<125x16xf32, #tpu.memory_space<vmem>>
        %dma_start3A_1041 = arith.constant 32 : i32
        %dma_start3A_1042 = tpu.memref_slice %arg2[%add3A_991, %dma_start3A_1041] : memref<40000x128xf32, #tpu.memory_space<hbm>> -> memref<125x16xf32, #tpu.memory_space<hbm>>
        %dma_start3A_1043 = arith.constant 0 : i32
        %dma_start3A_1044 = arith.constant 0 : i32
        %dma_start3A_1045 = tpu.memref_slice %arg6[%dma_start3A_1035, %dma_start3A_1036, %dma_start3A_1043, %dma_start3A_1044] : memref<2x8x125x16xf32, #tpu.memory_space<vmem>> -> memref<1x1x125x16xf32, #tpu.memory_space<vmem>>
        %dma_start3A_1046 = tpu.memref_squeeze %dma_start3A_1045 : memref<1x1x125x16xf32, #tpu.memory_space<vmem>> -> memref<125x16xf32, #tpu.memory_space<vmem>>
        %dma_start3A_1047 = arith.constant 32 : i32
        %dma_start3A_1048 = tpu.memref_slice %arg2[%add3A_991, %dma_start3A_1047] : memref<40000x128xf32, #tpu.memory_space<hbm>> -> memref<125x16xf32, #tpu.memory_space<hbm>>
        tpu.enqueue_dma source(%dma_start3A_1048 : memref<125x16xf32, #tpu.memory_space<hbm>>) target(%dma_start3A_1046 : memref<125x16xf32, #tpu.memory_space<vmem>>) target_semaphore(%arg9 : memref<!tpu.dma_semaphore, #tpu.memory_space<semaphore_mem>>)
        %dma_start3A_1049 = arith.constant 0 : i32
        %dma_start3A_1050 = arith.constant 3 : i32
        %dma_start3A_1051 = arith.constant 0 : i32
        %dma_start3A_1052 = arith.constant 0 : i32
        %dma_start3A_1053 = tpu.memref_slice %arg6[%dma_start3A_1049, %dma_start3A_1050, %dma_start3A_1051, %dma_start3A_1052] : memref<2x8x125x16xf32, #tpu.memory_space<vmem>> -> memref<1x1x125x16xf32, #tpu.memory_space<vmem>>
        %dma_start3A_1054 = tpu.memref_squeeze %dma_start3A_1053 : memref<1x1x125x16xf32, #tpu.memory_space<vmem>> -> memref<125x16xf32, #tpu.memory_space<vmem>>
        %dma_start3A_1055 = arith.constant 48 : i32
        %dma_start3A_1056 = tpu.memref_slice %arg2[%add3A_994, %dma_start3A_1055] : memref<40000x128xf32, #tpu.memory_space<hbm>> -> memref<125x16xf32, #tpu.memory_space<hbm>>
        %dma_start3A_1057 = arith.constant 0 : i32
        %dma_start3A_1058 = arith.constant 0 : i32
        %dma_start3A_1059 = tpu.memref_slice %arg6[%dma_start3A_1049, %dma_start3A_1050, %dma_start3A_1057, %dma_start3A_1058] : memref<2x8x125x16xf32, #tpu.memory_space<vmem>> -> memref<1x1x125x16xf32, #tpu.memory_space<vmem>>
        %dma_start3A_1060 = tpu.memref_squeeze %dma_start3A_1059 : memref<1x1x125x16xf32, #tpu.memory_space<vmem>> -> memref<125x16xf32, #tpu.memory_space<vmem>>
        %dma_start3A_1061 = arith.constant 48 : i32
        %dma_start3A_1062 = tpu.memref_slice %arg2[%add3A_994, %dma_start3A_1061] : memref<40000x128xf32, #tpu.memory_space<hbm>> -> memref<125x16xf32, #tpu.memory_space<hbm>>
        tpu.enqueue_dma source(%dma_start3A_1062 : memref<125x16xf32, #tpu.memory_space<hbm>>) target(%dma_start3A_1060 : memref<125x16xf32, #tpu.memory_space<vmem>>) target_semaphore(%arg9 : memref<!tpu.dma_semaphore, #tpu.memory_space<semaphore_mem>>)
        %dma_start3A_1063 = arith.constant 0 : i32
        %dma_start3A_1064 = arith.constant 4 : i32
        %dma_start3A_1065 = arith.constant 0 : i32
        %dma_start3A_1066 = arith.constant 0 : i32
        %dma_start3A_1067 = tpu.memref_slice %arg6[%dma_start3A_1063, %dma_start3A_1064, %dma_start3A_1065, %dma_start3A_1066] : memref<2x8x125x16xf32, #tpu.memory_space<vmem>> -> memref<1x1x125x16xf32, #tpu.memory_space<vmem>>
        %dma_start3A_1068 = tpu.memref_squeeze %dma_start3A_1067 : memref<1x1x125x16xf32, #tpu.memory_space<vmem>> -> memref<125x16xf32, #tpu.memory_space<vmem>>
        %dma_start3A_1069 = arith.constant 64 : i32
        %dma_start3A_1070 = tpu.memref_slice %arg2[%add3A_997, %dma_start3A_1069] : memref<40000x128xf32, #tpu.memory_space<hbm>> -> memref<125x16xf32, #tpu.memory_space<hbm>>
        %dma_start3A_1071 = arith.constant 0 : i32
        %dma_start3A_1072 = arith.constant 0 : i32
        %dma_start3A_1073 = tpu.memref_slice %arg6[%dma_start3A_1063, %dma_start3A_1064, %dma_start3A_1071, %dma_start3A_1072] : memref<2x8x125x16xf32, #tpu.memory_space<vmem>> -> memref<1x1x125x16xf32, #tpu.memory_space<vmem>>
        %dma_start3A_1074 = tpu.memref_squeeze %dma_start3A_1073 : memref<1x1x125x16xf32, #tpu.memory_space<vmem>> -> memref<125x16xf32, #tpu.memory_space<vmem>>
        %dma_start3A_1075 = arith.constant 64 : i32
        %dma_start3A_1076 = tpu.memref_slice %arg2[%add3A_997, %dma_start3A_1075] : memref<40000x128xf32, #tpu.memory_space<hbm>> -> memref<125x16xf32, #tpu.memory_space<hbm>>
        tpu.enqueue_dma source(%dma_start3A_1076 : memref<125x16xf32, #tpu.memory_space<hbm>>) target(%dma_start3A_1074 : memref<125x16xf32, #tpu.memory_space<vmem>>) target_semaphore(%arg9 : memref<!tpu.dma_semaphore, #tpu.memory_space<semaphore_mem>>)
        %dma_start3A_1077 = arith.constant 0 : i32
        %dma_start3A_1078 = arith.constant 5 : i32
        %dma_start3A_1079 = arith.constant 0 : i32
        %dma_start3A_1080 = arith.constant 0 : i32
        %dma_start3A_1081 = tpu.memref_slice %arg6[%dma_start3A_1077, %dma_start3A_1078, %dma_start3A_1079, %dma_start3A_1080] : memref<2x8x125x16xf32, #tpu.memory_space<vmem>> -> memref<1x1x125x16xf32, #tpu.memory_space<vmem>>
        %dma_start3A_1082 = tpu.memref_squeeze %dma_start3A_1081 : memref<1x1x125x16xf32, #tpu.memory_space<vmem>> -> memref<125x16xf32, #tpu.memory_space<vmem>>
        %dma_start3A_1083 = arith.constant 80 : i32
        %dma_start3A_1084 = tpu.memref_slice %arg2[%add3A_1000, %dma_start3A_1083] : memref<40000x128xf32, #tpu.memory_space<hbm>> -> memref<125x16xf32, #tpu.memory_space<hbm>>
        %dma_start3A_1085 = arith.constant 0 : i32
        %dma_start3A_1086 = arith.constant 0 : i32
        %dma_start3A_1087 = tpu.memref_slice %arg6[%dma_start3A_1077, %dma_start3A_1078, %dma_start3A_1085, %dma_start3A_1086] : memref<2x8x125x16xf32, #tpu.memory_space<vmem>> -> memref<1x1x125x16xf32, #tpu.memory_space<vmem>>
        %dma_start3A_1088 = tpu.memref_squeeze %dma_start3A_1087 : memref<1x1x125x16xf32, #tpu.memory_space<vmem>> -> memref<125x16xf32, #tpu.memory_space<vmem>>
        %dma_start3A_1089 = arith.constant 80 : i32
        %dma_start3A_1090 = tpu.memref_slice %arg2[%add3A_1000, %dma_start3A_1089] : memref<40000x128xf32, #tpu.memory_space<hbm>> -> memref<125x16xf32, #tpu.memory_space<hbm>>
        tpu.enqueue_dma source(%dma_start3A_1090 : memref<125x16xf32, #tpu.memory_space<hbm>>) target(%dma_start3A_1088 : memref<125x16xf32, #tpu.memory_space<vmem>>) target_semaphore(%arg9 : memref<!tpu.dma_semaphore, #tpu.memory_space<semaphore_mem>>)
        %dma_start3A_1091 = arith.constant 0 : i32
        %dma_start3A_1092 = arith.constant 6 : i32
        %dma_start3A_1093 = arith.constant 0 : i32
        %dma_start3A_1094 = arith.constant 0 : i32
        %dma_start3A_1095 = tpu.memref_slice %arg6[%dma_start3A_1091, %dma_start3A_1092, %dma_start3A_1093, %dma_start3A_1094] : memref<2x8x125x16xf32, #tpu.memory_space<vmem>> -> memref<1x1x125x16xf32, #tpu.memory_space<vmem>>
        %dma_start3A_1096 = tpu.memref_squeeze %dma_start3A_1095 : memref<1x1x125x16xf32, #tpu.memory_space<vmem>> -> memref<125x16xf32, #tpu.memory_space<vmem>>
        %dma_start3A_1097 = arith.constant 96 : i32
        %dma_start3A_1098 = tpu.memref_slice %arg2[%add3A_1003, %dma_start3A_1097] : memref<40000x128xf32, #tpu.memory_space<hbm>> -> memref<125x16xf32, #tpu.memory_space<hbm>>
        %dma_start3A_1099 = arith.constant 0 : i32
        %dma_start3A_1100 = arith.constant 0 : i32
        %dma_start3A_1101 = tpu.memref_slice %arg6[%dma_start3A_1091, %dma_start3A_1092, %dma_start3A_1099, %dma_start3A_1100] : memref<2x8x125x16xf32, #tpu.memory_space<vmem>> -> memref<1x1x125x16xf32, #tpu.memory_space<vmem>>
        %dma_start3A_1102 = tpu.memref_squeeze %dma_start3A_1101 : memref<1x1x125x16xf32, #tpu.memory_space<vmem>> -> memref<125x16xf32, #tpu.memory_space<vmem>>
        %dma_start3A_1103 = arith.constant 96 : i32
        %dma_start3A_1104 = tpu.memref_slice %arg2[%add3A_1003, %dma_start3A_1103] : memref<40000x128xf32, #tpu.memory_space<hbm>> -> memref<125x16xf32, #tpu.memory_space<hbm>>
        tpu.enqueue_dma source(%dma_start3A_1104 : memref<125x16xf32, #tpu.memory_space<hbm>>) target(%dma_start3A_1102 : memref<125x16xf32, #tpu.memory_space<vmem>>) target_semaphore(%arg9 : memref<!tpu.dma_semaphore, #tpu.memory_space<semaphore_mem>>)
        %dma_start3A_1105 = arith.constant 0 : i32
        %dma_start3A_1106 = arith.constant 7 : i32
        %dma_start3A_1107 = arith.constant 0 : i32
        %dma_start3A_1108 = arith.constant 0 : i32
        %dma_start3A_1109 = tpu.memref_slice %arg6[%dma_start3A_1105, %dma_start3A_1106, %dma_start3A_1107, %dma_start3A_1108] : memref<2x8x125x16xf32, #tpu.memory_space<vmem>> -> memref<1x1x125x16xf32, #tpu.memory_space<vmem>>
        %dma_start3A_1110 = tpu.memref_squeeze %dma_start3A_1109 : memref<1x1x125x16xf32, #tpu.memory_space<vmem>> -> memref<125x16xf32, #tpu.memory_space<vmem>>
        %dma_start3A_1111 = arith.constant 112 : i32
        %dma_start3A_1112 = tpu.memref_slice %arg2[%add3A_1006, %dma_start3A_1111] : memref<40000x128xf32, #tpu.memory_space<hbm>> -> memref<125x16xf32, #tpu.memory_space<hbm>>
        %dma_start3A_1113 = arith.constant 0 : i32
        %dma_start3A_1114 = arith.constant 0 : i32
        %dma_start3A_1115 = tpu.memref_slice %arg6[%dma_start3A_1105, %dma_start3A_1106, %dma_start3A_1113, %dma_start3A_1114] : memref<2x8x125x16xf32, #tpu.memory_space<vmem>> -> memref<1x1x125x16xf32, #tpu.memory_space<vmem>>
        %dma_start3A_1116 = tpu.memref_squeeze %dma_start3A_1115 : memref<1x1x125x16xf32, #tpu.memory_space<vmem>> -> memref<125x16xf32, #tpu.memory_space<vmem>>
        %dma_start3A_1117 = arith.constant 112 : i32
        %dma_start3A_1118 = tpu.memref_slice %arg2[%add3A_1006, %dma_start3A_1117] : memref<40000x128xf32, #tpu.memory_space<hbm>> -> memref<125x16xf32, #tpu.memory_space<hbm>>
        tpu.enqueue_dma source(%dma_start3A_1118 : memref<125x16xf32, #tpu.memory_space<hbm>>) target(%dma_start3A_1116 : memref<125x16xf32, #tpu.memory_space<vmem>>) target_semaphore(%arg9 : memref<!tpu.dma_semaphore, #tpu.memory_space<semaphore_mem>>)
      } else {
      }
      %add3A_628 = arith.constant 1 : i32
      %add3A_629 = arith.addi %add3A_278, %add3A_628 : i32
      %mul3A_630 = arith.constant 125 : i32
      %mul3A_631 = arith.muli %add3A_629, %mul3A_630 : i32
      %add3A_632 = arith.addi %mul3A_2, %mul3A_631 : i32
      %mul3A_633 = arith.constant 125 : i32
      %mul3A_634 = arith.muli %add3A_629, %mul3A_633 : i32
      %add3A_635 = arith.addi %mul3A_2, %mul3A_634 : i32
      %mul3A_636 = arith.constant 125 : i32
      %mul3A_637 = arith.muli %add3A_629, %mul3A_636 : i32
      %add3A_638 = arith.addi %mul3A_2, %mul3A_637 : i32
      %mul3A_639 = arith.constant 125 : i32
      %mul3A_640 = arith.muli %add3A_629, %mul3A_639 : i32
      %add3A_641 = arith.addi %mul3A_2, %mul3A_640 : i32
      %mul3A_642 = arith.constant 125 : i32
      %mul3A_643 = arith.muli %add3A_629, %mul3A_642 : i32
      %add3A_644 = arith.addi %mul3A_2, %mul3A_643 : i32
      %mul3A_645 = arith.constant 125 : i32
      %mul3A_646 = arith.muli %add3A_629, %mul3A_645 : i32
      %add3A_647 = arith.addi %mul3A_2, %mul3A_646 : i32
      %mul3A_648 = arith.constant 125 : i32
      %mul3A_649 = arith.muli %add3A_629, %mul3A_648 : i32
      %add3A_650 = arith.addi %mul3A_2, %mul3A_649 : i32
      %mul3A_651 = arith.constant 125 : i32
      %mul3A_652 = arith.muli %add3A_629, %mul3A_651 : i32
      %add3A_653 = arith.addi %mul3A_2, %mul3A_652 : i32
      %dma_wait3A_654 = arith.constant 1 : i32
      %dma_wait3A_655 = arith.constant 0 : i32
      %dma_wait3A_656 = arith.constant 0 : i32
      %dma_wait3A_657 = arith.constant 0 : i32
      %dma_wait3A_658 = tpu.memref_slice %arg6[%dma_wait3A_654, %dma_wait3A_655, %dma_wait3A_656, %dma_wait3A_657] : memref<2x8x125x16xf32, #tpu.memory_space<vmem>> -> memref<1x1x125x16xf32, #tpu.memory_space<vmem>>
      %dma_wait3A_659 = tpu.memref_squeeze %dma_wait3A_658 : memref<1x1x125x16xf32, #tpu.memory_space<vmem>> -> memref<125x16xf32, #tpu.memory_space<vmem>>
      %dma_wait3A_660 = arith.constant 0 : i32
      %dma_wait3A_661 = tpu.memref_slice %arg2[%add3A_632, %dma_wait3A_660] : memref<40000x128xf32, #tpu.memory_space<hbm>> -> memref<125x16xf32, #tpu.memory_space<hbm>>
      %dma_wait3A_662 = arith.constant 0 : i32
      %dma_wait3A_663 = arith.constant 0 : i32
      %dma_wait3A_664 = tpu.memref_slice %arg6[%dma_wait3A_654, %dma_wait3A_655, %dma_wait3A_662, %dma_wait3A_663] : memref<2x8x125x16xf32, #tpu.memory_space<vmem>> -> memref<1x1x125x16xf32, #tpu.memory_space<vmem>>
      %dma_wait3A_665 = tpu.memref_squeeze %dma_wait3A_664 : memref<1x1x125x16xf32, #tpu.memory_space<vmem>> -> memref<125x16xf32, #tpu.memory_space<vmem>>
      %dma_wait3A_666 = arith.constant 0 : i32
      %dma_wait3A_667 = tpu.memref_slice %arg2[%add3A_632, %dma_wait3A_666] : memref<40000x128xf32, #tpu.memory_space<hbm>> -> memref<125x16xf32, #tpu.memory_space<hbm>>
      tpu.wait_dma2 semaphore(%arg10 : memref<!tpu.dma_semaphore, #tpu.memory_space<semaphore_mem>>) src(%dma_wait3A_667 : memref<125x16xf32, #tpu.memory_space<hbm>>) dst(%dma_wait3A_665 : memref<125x16xf32, #tpu.memory_space<vmem>>)
      %dma_wait3A_668 = arith.constant 1 : i32
      %dma_wait3A_669 = arith.constant 1 : i32
      %dma_wait3A_670 = arith.constant 0 : i32
      %dma_wait3A_671 = arith.constant 0 : i32
      %dma_wait3A_672 = tpu.memref_slice %arg6[%dma_wait3A_668, %dma_wait3A_669, %dma_wait3A_670, %dma_wait3A_671] : memref<2x8x125x16xf32, #tpu.memory_space<vmem>> -> memref<1x1x125x16xf32, #tpu.memory_space<vmem>>
      %dma_wait3A_673 = tpu.memref_squeeze %dma_wait3A_672 : memref<1x1x125x16xf32, #tpu.memory_space<vmem>> -> memref<125x16xf32, #tpu.memory_space<vmem>>
      %dma_wait3A_674 = arith.constant 16 : i32
      %dma_wait3A_675 = tpu.memref_slice %arg2[%add3A_635, %dma_wait3A_674] : memref<40000x128xf32, #tpu.memory_space<hbm>> -> memref<125x16xf32, #tpu.memory_space<hbm>>
      %dma_wait3A_676 = arith.constant 0 : i32
      %dma_wait3A_677 = arith.constant 0 : i32
      %dma_wait3A_678 = tpu.memref_slice %arg6[%dma_wait3A_668, %dma_wait3A_669, %dma_wait3A_676, %dma_wait3A_677] : memref<2x8x125x16xf32, #tpu.memory_space<vmem>> -> memref<1x1x125x16xf32, #tpu.memory_space<vmem>>
      %dma_wait3A_679 = tpu.memref_squeeze %dma_wait3A_678 : memref<1x1x125x16xf32, #tpu.memory_space<vmem>> -> memref<125x16xf32, #tpu.memory_space<vmem>>
      %dma_wait3A_680 = arith.constant 16 : i32
      %dma_wait3A_681 = tpu.memref_slice %arg2[%add3A_635, %dma_wait3A_680] : memref<40000x128xf32, #tpu.memory_space<hbm>> -> memref<125x16xf32, #tpu.memory_space<hbm>>
      tpu.wait_dma2 semaphore(%arg10 : memref<!tpu.dma_semaphore, #tpu.memory_space<semaphore_mem>>) src(%dma_wait3A_681 : memref<125x16xf32, #tpu.memory_space<hbm>>) dst(%dma_wait3A_679 : memref<125x16xf32, #tpu.memory_space<vmem>>)
      %dma_wait3A_682 = arith.constant 1 : i32
      %dma_wait3A_683 = arith.constant 2 : i32
      %dma_wait3A_684 = arith.constant 0 : i32
      %dma_wait3A_685 = arith.constant 0 : i32
      %dma_wait3A_686 = tpu.memref_slice %arg6[%dma_wait3A_682, %dma_wait3A_683, %dma_wait3A_684, %dma_wait3A_685] : memref<2x8x125x16xf32, #tpu.memory_space<vmem>> -> memref<1x1x125x16xf32, #tpu.memory_space<vmem>>
      %dma_wait3A_687 = tpu.memref_squeeze %dma_wait3A_686 : memref<1x1x125x16xf32, #tpu.memory_space<vmem>> -> memref<125x16xf32, #tpu.memory_space<vmem>>
      %dma_wait3A_688 = arith.constant 32 : i32
      %dma_wait3A_689 = tpu.memref_slice %arg2[%add3A_638, %dma_wait3A_688] : memref<40000x128xf32, #tpu.memory_space<hbm>> -> memref<125x16xf32, #tpu.memory_space<hbm>>
      %dma_wait3A_690 = arith.constant 0 : i32
      %dma_wait3A_691 = arith.constant 0 : i32
      %dma_wait3A_692 = tpu.memref_slice %arg6[%dma_wait3A_682, %dma_wait3A_683, %dma_wait3A_690, %dma_wait3A_691] : memref<2x8x125x16xf32, #tpu.memory_space<vmem>> -> memref<1x1x125x16xf32, #tpu.memory_space<vmem>>
      %dma_wait3A_693 = tpu.memref_squeeze %dma_wait3A_692 : memref<1x1x125x16xf32, #tpu.memory_space<vmem>> -> memref<125x16xf32, #tpu.memory_space<vmem>>
      %dma_wait3A_694 = arith.constant 32 : i32
      %dma_wait3A_695 = tpu.memref_slice %arg2[%add3A_638, %dma_wait3A_694] : memref<40000x128xf32, #tpu.memory_space<hbm>> -> memref<125x16xf32, #tpu.memory_space<hbm>>
      tpu.wait_dma2 semaphore(%arg10 : memref<!tpu.dma_semaphore, #tpu.memory_space<semaphore_mem>>) src(%dma_wait3A_695 : memref<125x16xf32, #tpu.memory_space<hbm>>) dst(%dma_wait3A_693 : memref<125x16xf32, #tpu.memory_space<vmem>>)
      %dma_wait3A_696 = arith.constant 1 : i32
      %dma_wait3A_697 = arith.constant 3 : i32
      %dma_wait3A_698 = arith.constant 0 : i32
      %dma_wait3A_699 = arith.constant 0 : i32
      %dma_wait3A_700 = tpu.memref_slice %arg6[%dma_wait3A_696, %dma_wait3A_697, %dma_wait3A_698, %dma_wait3A_699] : memref<2x8x125x16xf32, #tpu.memory_space<vmem>> -> memref<1x1x125x16xf32, #tpu.memory_space<vmem>>
      %dma_wait3A_701 = tpu.memref_squeeze %dma_wait3A_700 : memref<1x1x125x16xf32, #tpu.memory_space<vmem>> -> memref<125x16xf32, #tpu.memory_space<vmem>>
      %dma_wait3A_702 = arith.constant 48 : i32
      %dma_wait3A_703 = tpu.memref_slice %arg2[%add3A_641, %dma_wait3A_702] : memref<40000x128xf32, #tpu.memory_space<hbm>> -> memref<125x16xf32, #tpu.memory_space<hbm>>
      %dma_wait3A_704 = arith.constant 0 : i32
      %dma_wait3A_705 = arith.constant 0 : i32
      %dma_wait3A_706 = tpu.memref_slice %arg6[%dma_wait3A_696, %dma_wait3A_697, %dma_wait3A_704, %dma_wait3A_705] : memref<2x8x125x16xf32, #tpu.memory_space<vmem>> -> memref<1x1x125x16xf32, #tpu.memory_space<vmem>>
      %dma_wait3A_707 = tpu.memref_squeeze %dma_wait3A_706 : memref<1x1x125x16xf32, #tpu.memory_space<vmem>> -> memref<125x16xf32, #tpu.memory_space<vmem>>
      %dma_wait3A_708 = arith.constant 48 : i32
      %dma_wait3A_709 = tpu.memref_slice %arg2[%add3A_641, %dma_wait3A_708] : memref<40000x128xf32, #tpu.memory_space<hbm>> -> memref<125x16xf32, #tpu.memory_space<hbm>>
      tpu.wait_dma2 semaphore(%arg10 : memref<!tpu.dma_semaphore, #tpu.memory_space<semaphore_mem>>) src(%dma_wait3A_709 : memref<125x16xf32, #tpu.memory_space<hbm>>) dst(%dma_wait3A_707 : memref<125x16xf32, #tpu.memory_space<vmem>>)
      %dma_wait3A_710 = arith.constant 1 : i32
      %dma_wait3A_711 = arith.constant 4 : i32
      %dma_wait3A_712 = arith.constant 0 : i32
      %dma_wait3A_713 = arith.constant 0 : i32
      %dma_wait3A_714 = tpu.memref_slice %arg6[%dma_wait3A_710, %dma_wait3A_711, %dma_wait3A_712, %dma_wait3A_713] : memref<2x8x125x16xf32, #tpu.memory_space<vmem>> -> memref<1x1x125x16xf32, #tpu.memory_space<vmem>>
      %dma_wait3A_715 = tpu.memref_squeeze %dma_wait3A_714 : memref<1x1x125x16xf32, #tpu.memory_space<vmem>> -> memref<125x16xf32, #tpu.memory_space<vmem>>
      %dma_wait3A_716 = arith.constant 64 : i32
      %dma_wait3A_717 = tpu.memref_slice %arg2[%add3A_644, %dma_wait3A_716] : memref<40000x128xf32, #tpu.memory_space<hbm>> -> memref<125x16xf32, #tpu.memory_space<hbm>>
      %dma_wait3A_718 = arith.constant 0 : i32
      %dma_wait3A_719 = arith.constant 0 : i32
      %dma_wait3A_720 = tpu.memref_slice %arg6[%dma_wait3A_710, %dma_wait3A_711, %dma_wait3A_718, %dma_wait3A_719] : memref<2x8x125x16xf32, #tpu.memory_space<vmem>> -> memref<1x1x125x16xf32, #tpu.memory_space<vmem>>
      %dma_wait3A_721 = tpu.memref_squeeze %dma_wait3A_720 : memref<1x1x125x16xf32, #tpu.memory_space<vmem>> -> memref<125x16xf32, #tpu.memory_space<vmem>>
      %dma_wait3A_722 = arith.constant 64 : i32
      %dma_wait3A_723 = tpu.memref_slice %arg2[%add3A_644, %dma_wait3A_722] : memref<40000x128xf32, #tpu.memory_space<hbm>> -> memref<125x16xf32, #tpu.memory_space<hbm>>
      tpu.wait_dma2 semaphore(%arg10 : memref<!tpu.dma_semaphore, #tpu.memory_space<semaphore_mem>>) src(%dma_wait3A_723 : memref<125x16xf32, #tpu.memory_space<hbm>>) dst(%dma_wait3A_721 : memref<125x16xf32, #tpu.memory_space<vmem>>)
      %dma_wait3A_724 = arith.constant 1 : i32
      %dma_wait3A_725 = arith.constant 5 : i32
      %dma_wait3A_726 = arith.constant 0 : i32
      %dma_wait3A_727 = arith.constant 0 : i32
      %dma_wait3A_728 = tpu.memref_slice %arg6[%dma_wait3A_724, %dma_wait3A_725, %dma_wait3A_726, %dma_wait3A_727] : memref<2x8x125x16xf32, #tpu.memory_space<vmem>> -> memref<1x1x125x16xf32, #tpu.memory_space<vmem>>
      %dma_wait3A_729 = tpu.memref_squeeze %dma_wait3A_728 : memref<1x1x125x16xf32, #tpu.memory_space<vmem>> -> memref<125x16xf32, #tpu.memory_space<vmem>>
      %dma_wait3A_730 = arith.constant 80 : i32
      %dma_wait3A_731 = tpu.memref_slice %arg2[%add3A_647, %dma_wait3A_730] : memref<40000x128xf32, #tpu.memory_space<hbm>> -> memref<125x16xf32, #tpu.memory_space<hbm>>
      %dma_wait3A_732 = arith.constant 0 : i32
      %dma_wait3A_733 = arith.constant 0 : i32
      %dma_wait3A_734 = tpu.memref_slice %arg6[%dma_wait3A_724, %dma_wait3A_725, %dma_wait3A_732, %dma_wait3A_733] : memref<2x8x125x16xf32, #tpu.memory_space<vmem>> -> memref<1x1x125x16xf32, #tpu.memory_space<vmem>>
      %dma_wait3A_735 = tpu.memref_squeeze %dma_wait3A_734 : memref<1x1x125x16xf32, #tpu.memory_space<vmem>> -> memref<125x16xf32, #tpu.memory_space<vmem>>
      %dma_wait3A_736 = arith.constant 80 : i32
      %dma_wait3A_737 = tpu.memref_slice %arg2[%add3A_647, %dma_wait3A_736] : memref<40000x128xf32, #tpu.memory_space<hbm>> -> memref<125x16xf32, #tpu.memory_space<hbm>>
      tpu.wait_dma2 semaphore(%arg10 : memref<!tpu.dma_semaphore, #tpu.memory_space<semaphore_mem>>) src(%dma_wait3A_737 : memref<125x16xf32, #tpu.memory_space<hbm>>) dst(%dma_wait3A_735 : memref<125x16xf32, #tpu.memory_space<vmem>>)
      %dma_wait3A_738 = arith.constant 1 : i32
      %dma_wait3A_739 = arith.constant 6 : i32
      %dma_wait3A_740 = arith.constant 0 : i32
      %dma_wait3A_741 = arith.constant 0 : i32
      %dma_wait3A_742 = tpu.memref_slice %arg6[%dma_wait3A_738, %dma_wait3A_739, %dma_wait3A_740, %dma_wait3A_741] : memref<2x8x125x16xf32, #tpu.memory_space<vmem>> -> memref<1x1x125x16xf32, #tpu.memory_space<vmem>>
      %dma_wait3A_743 = tpu.memref_squeeze %dma_wait3A_742 : memref<1x1x125x16xf32, #tpu.memory_space<vmem>> -> memref<125x16xf32, #tpu.memory_space<vmem>>
      %dma_wait3A_744 = arith.constant 96 : i32
      %dma_wait3A_745 = tpu.memref_slice %arg2[%add3A_650, %dma_wait3A_744] : memref<40000x128xf32, #tpu.memory_space<hbm>> -> memref<125x16xf32, #tpu.memory_space<hbm>>
      %dma_wait3A_746 = arith.constant 0 : i32
      %dma_wait3A_747 = arith.constant 0 : i32
      %dma_wait3A_748 = tpu.memref_slice %arg6[%dma_wait3A_738, %dma_wait3A_739, %dma_wait3A_746, %dma_wait3A_747] : memref<2x8x125x16xf32, #tpu.memory_space<vmem>> -> memref<1x1x125x16xf32, #tpu.memory_space<vmem>>
      %dma_wait3A_749 = tpu.memref_squeeze %dma_wait3A_748 : memref<1x1x125x16xf32, #tpu.memory_space<vmem>> -> memref<125x16xf32, #tpu.memory_space<vmem>>
      %dma_wait3A_750 = arith.constant 96 : i32
      %dma_wait3A_751 = tpu.memref_slice %arg2[%add3A_650, %dma_wait3A_750] : memref<40000x128xf32, #tpu.memory_space<hbm>> -> memref<125x16xf32, #tpu.memory_space<hbm>>
      tpu.wait_dma2 semaphore(%arg10 : memref<!tpu.dma_semaphore, #tpu.memory_space<semaphore_mem>>) src(%dma_wait3A_751 : memref<125x16xf32, #tpu.memory_space<hbm>>) dst(%dma_wait3A_749 : memref<125x16xf32, #tpu.memory_space<vmem>>)
      %dma_wait3A_752 = arith.constant 1 : i32
      %dma_wait3A_753 = arith.constant 7 : i32
      %dma_wait3A_754 = arith.constant 0 : i32
      %dma_wait3A_755 = arith.constant 0 : i32
      %dma_wait3A_756 = tpu.memref_slice %arg6[%dma_wait3A_752, %dma_wait3A_753, %dma_wait3A_754, %dma_wait3A_755] : memref<2x8x125x16xf32, #tpu.memory_space<vmem>> -> memref<1x1x125x16xf32, #tpu.memory_space<vmem>>
      %dma_wait3A_757 = tpu.memref_squeeze %dma_wait3A_756 : memref<1x1x125x16xf32, #tpu.memory_space<vmem>> -> memref<125x16xf32, #tpu.memory_space<vmem>>
      %dma_wait3A_758 = arith.constant 112 : i32
      %dma_wait3A_759 = tpu.memref_slice %arg2[%add3A_653, %dma_wait3A_758] : memref<40000x128xf32, #tpu.memory_space<hbm>> -> memref<125x16xf32, #tpu.memory_space<hbm>>
      %dma_wait3A_760 = arith.constant 0 : i32
      %dma_wait3A_761 = arith.constant 0 : i32
      %dma_wait3A_762 = tpu.memref_slice %arg6[%dma_wait3A_752, %dma_wait3A_753, %dma_wait3A_760, %dma_wait3A_761] : memref<2x8x125x16xf32, #tpu.memory_space<vmem>> -> memref<1x1x125x16xf32, #tpu.memory_space<vmem>>
      %dma_wait3A_763 = tpu.memref_squeeze %dma_wait3A_762 : memref<1x1x125x16xf32, #tpu.memory_space<vmem>> -> memref<125x16xf32, #tpu.memory_space<vmem>>
      %dma_wait3A_764 = arith.constant 112 : i32
      %dma_wait3A_765 = tpu.memref_slice %arg2[%add3A_653, %dma_wait3A_764] : memref<40000x128xf32, #tpu.memory_space<hbm>> -> memref<125x16xf32, #tpu.memory_space<hbm>>
      tpu.wait_dma2 semaphore(%arg10 : memref<!tpu.dma_semaphore, #tpu.memory_space<semaphore_mem>>) src(%dma_wait3A_765 : memref<125x16xf32, #tpu.memory_space<hbm>>) dst(%dma_wait3A_763 : memref<125x16xf32, #tpu.memory_space<vmem>>)
      %dma_start3A_766 = arith.constant 1 : i32
      %dma_start3A_767 = arith.constant 0 : i32
      %dma_start3A_768 = arith.constant 0 : i32
      %dma_start3A_769 = arith.constant 0 : i32
      %dma_start3A_770 = arith.constant 0 : i32
      %dma_start3A_771 = tpu.memref_slice %arg6[%dma_start3A_766, %dma_start3A_767, %dma_start3A_769, %dma_start3A_770] : memref<2x8x125x16xf32, #tpu.memory_space<vmem>> -> memref<1x1x125x16xf32, #tpu.memory_space<vmem>>
      %dma_start3A_772 = tpu.memref_squeeze %dma_start3A_771 : memref<1x1x125x16xf32, #tpu.memory_space<vmem>> -> memref<125x16xf32, #tpu.memory_space<vmem>>
      %dma_start3A_773 = arith.constant 0 : i32
      %dma_start3A_774 = tpu.memref_slice %arg5[%add3A_629, %dma_start3A_768, %dma_start3A_773] : memref<10x8x125xi32, #tpu.memory_space<vmem>> -> memref<1x1x125xi32, #tpu.memory_space<vmem>>
      %dma_start3A_775 = tpu.memref_squeeze %dma_start3A_774 : memref<1x1x125xi32, #tpu.memory_space<vmem>> -> memref<125xi32, #tpu.memory_space<vmem>>
      %dma_start3A_776 = arith.constant 0 : i32
      %dma_start3A_777 = arith.constant 0 : i32
      %dma_start3A_778 = tpu.memref_slice %arg8[%dma_start3A_776, %dma_start3A_777] : memref<10112x16xf32, #tpu.memory_space<vmem_shared>> -> memref<10112x16xf32, #tpu.memory_space<vmem_shared>>
      tpu.enqueue_indirect_dma source(%dma_start3A_772 : memref<125x16xf32, #tpu.memory_space<vmem>>) target(%dma_start3A_778 : memref<10112x16xf32, #tpu.memory_space<vmem_shared>>) offsets(%dma_start3A_775 : memref<125xi32, #tpu.memory_space<vmem>>) semaphore(%arg11 : memref<!tpu.dma_semaphore, #tpu.memory_space<semaphore_mem>>) {add = true}
      %dma_start3A_779 = arith.constant 1 : i32
      %dma_start3A_780 = arith.constant 1 : i32
      %dma_start3A_781 = arith.constant 1 : i32
      %dma_start3A_782 = arith.constant 0 : i32
      %dma_start3A_783 = arith.constant 0 : i32
      %dma_start3A_784 = tpu.memref_slice %arg6[%dma_start3A_779, %dma_start3A_780, %dma_start3A_782, %dma_start3A_783] : memref<2x8x125x16xf32, #tpu.memory_space<vmem>> -> memref<1x1x125x16xf32, #tpu.memory_space<vmem>>
      %dma_start3A_785 = tpu.memref_squeeze %dma_start3A_784 : memref<1x1x125x16xf32, #tpu.memory_space<vmem>> -> memref<125x16xf32, #tpu.memory_space<vmem>>
      %dma_start3A_786 = arith.constant 0 : i32
      %dma_start3A_787 = tpu.memref_slice %arg5[%add3A_629, %dma_start3A_781, %dma_start3A_786] : memref<10x8x125xi32, #tpu.memory_space<vmem>> -> memref<1x1x125xi32, #tpu.memory_space<vmem>>
      %dma_start3A_788 = tpu.memref_squeeze %dma_start3A_787 : memref<1x1x125xi32, #tpu.memory_space<vmem>> -> memref<125xi32, #tpu.memory_space<vmem>>
      %dma_start3A_789 = arith.constant 0 : i32
      %dma_start3A_790 = arith.constant 0 : i32
      %dma_start3A_791 = tpu.memref_slice %arg8[%dma_start3A_789, %dma_start3A_790] : memref<10112x16xf32, #tpu.memory_space<vmem_shared>> -> memref<10112x16xf32, #tpu.memory_space<vmem_shared>>
      tpu.enqueue_indirect_dma source(%dma_start3A_785 : memref<125x16xf32, #tpu.memory_space<vmem>>) target(%dma_start3A_791 : memref<10112x16xf32, #tpu.memory_space<vmem_shared>>) offsets(%dma_start3A_788 : memref<125xi32, #tpu.memory_space<vmem>>) semaphore(%arg11 : memref<!tpu.dma_semaphore, #tpu.memory_space<semaphore_mem>>) {add = true}
      %dma_start3A_792 = arith.constant 1 : i32
      %dma_start3A_793 = arith.constant 2 : i32
      %dma_start3A_794 = arith.constant 2 : i32
      %dma_start3A_795 = arith.constant 0 : i32
      %dma_start3A_796 = arith.constant 0 : i32
      %dma_start3A_797 = tpu.memref_slice %arg6[%dma_start3A_792, %dma_start3A_793, %dma_start3A_795, %dma_start3A_796] : memref<2x8x125x16xf32, #tpu.memory_space<vmem>> -> memref<1x1x125x16xf32, #tpu.memory_space<vmem>>
      %dma_start3A_798 = tpu.memref_squeeze %dma_start3A_797 : memref<1x1x125x16xf32, #tpu.memory_space<vmem>> -> memref<125x16xf32, #tpu.memory_space<vmem>>
      %dma_start3A_799 = arith.constant 0 : i32
      %dma_start3A_800 = tpu.memref_slice %arg5[%add3A_629, %dma_start3A_794, %dma_start3A_799] : memref<10x8x125xi32, #tpu.memory_space<vmem>> -> memref<1x1x125xi32, #tpu.memory_space<vmem>>
      %dma_start3A_801 = tpu.memref_squeeze %dma_start3A_800 : memref<1x1x125xi32, #tpu.memory_space<vmem>> -> memref<125xi32, #tpu.memory_space<vmem>>
      %dma_start3A_802 = arith.constant 0 : i32
      %dma_start3A_803 = arith.constant 0 : i32
      %dma_start3A_804 = tpu.memref_slice %arg8[%dma_start3A_802, %dma_start3A_803] : memref<10112x16xf32, #tpu.memory_space<vmem_shared>> -> memref<10112x16xf32, #tpu.memory_space<vmem_shared>>
      tpu.enqueue_indirect_dma source(%dma_start3A_798 : memref<125x16xf32, #tpu.memory_space<vmem>>) target(%dma_start3A_804 : memref<10112x16xf32, #tpu.memory_space<vmem_shared>>) offsets(%dma_start3A_801 : memref<125xi32, #tpu.memory_space<vmem>>) semaphore(%arg11 : memref<!tpu.dma_semaphore, #tpu.memory_space<semaphore_mem>>) {add = true}
      %dma_start3A_805 = arith.constant 1 : i32
      %dma_start3A_806 = arith.constant 3 : i32
      %dma_start3A_807 = arith.constant 3 : i32
      %dma_start3A_808 = arith.constant 0 : i32
      %dma_start3A_809 = arith.constant 0 : i32
      %dma_start3A_810 = tpu.memref_slice %arg6[%dma_start3A_805, %dma_start3A_806, %dma_start3A_808, %dma_start3A_809] : memref<2x8x125x16xf32, #tpu.memory_space<vmem>> -> memref<1x1x125x16xf32, #tpu.memory_space<vmem>>
      %dma_start3A_811 = tpu.memref_squeeze %dma_start3A_810 : memref<1x1x125x16xf32, #tpu.memory_space<vmem>> -> memref<125x16xf32, #tpu.memory_space<vmem>>
      %dma_start3A_812 = arith.constant 0 : i32
      %dma_start3A_813 = tpu.memref_slice %arg5[%add3A_629, %dma_start3A_807, %dma_start3A_812] : memref<10x8x125xi32, #tpu.memory_space<vmem>> -> memref<1x1x125xi32, #tpu.memory_space<vmem>>
      %dma_start3A_814 = tpu.memref_squeeze %dma_start3A_813 : memref<1x1x125xi32, #tpu.memory_space<vmem>> -> memref<125xi32, #tpu.memory_space<vmem>>
      %dma_start3A_815 = arith.constant 0 : i32
      %dma_start3A_816 = arith.constant 0 : i32
      %dma_start3A_817 = tpu.memref_slice %arg8[%dma_start3A_815, %dma_start3A_816] : memref<10112x16xf32, #tpu.memory_space<vmem_shared>> -> memref<10112x16xf32, #tpu.memory_space<vmem_shared>>
      tpu.enqueue_indirect_dma source(%dma_start3A_811 : memref<125x16xf32, #tpu.memory_space<vmem>>) target(%dma_start3A_817 : memref<10112x16xf32, #tpu.memory_space<vmem_shared>>) offsets(%dma_start3A_814 : memref<125xi32, #tpu.memory_space<vmem>>) semaphore(%arg11 : memref<!tpu.dma_semaphore, #tpu.memory_space<semaphore_mem>>) {add = true}
      %dma_start3A_818 = arith.constant 1 : i32
      %dma_start3A_819 = arith.constant 4 : i32
      %dma_start3A_820 = arith.constant 4 : i32
      %dma_start3A_821 = arith.constant 0 : i32
      %dma_start3A_822 = arith.constant 0 : i32
      %dma_start3A_823 = tpu.memref_slice %arg6[%dma_start3A_818, %dma_start3A_819, %dma_start3A_821, %dma_start3A_822] : memref<2x8x125x16xf32, #tpu.memory_space<vmem>> -> memref<1x1x125x16xf32, #tpu.memory_space<vmem>>
      %dma_start3A_824 = tpu.memref_squeeze %dma_start3A_823 : memref<1x1x125x16xf32, #tpu.memory_space<vmem>> -> memref<125x16xf32, #tpu.memory_space<vmem>>
      %dma_start3A_825 = arith.constant 0 : i32
      %dma_start3A_826 = tpu.memref_slice %arg5[%add3A_629, %dma_start3A_820, %dma_start3A_825] : memref<10x8x125xi32, #tpu.memory_space<vmem>> -> memref<1x1x125xi32, #tpu.memory_space<vmem>>
      %dma_start3A_827 = tpu.memref_squeeze %dma_start3A_826 : memref<1x1x125xi32, #tpu.memory_space<vmem>> -> memref<125xi32, #tpu.memory_space<vmem>>
      %dma_start3A_828 = arith.constant 0 : i32
      %dma_start3A_829 = arith.constant 0 : i32
      %dma_start3A_830 = tpu.memref_slice %arg8[%dma_start3A_828, %dma_start3A_829] : memref<10112x16xf32, #tpu.memory_space<vmem_shared>> -> memref<10112x16xf32, #tpu.memory_space<vmem_shared>>
      tpu.enqueue_indirect_dma source(%dma_start3A_824 : memref<125x16xf32, #tpu.memory_space<vmem>>) target(%dma_start3A_830 : memref<10112x16xf32, #tpu.memory_space<vmem_shared>>) offsets(%dma_start3A_827 : memref<125xi32, #tpu.memory_space<vmem>>) semaphore(%arg11 : memref<!tpu.dma_semaphore, #tpu.memory_space<semaphore_mem>>) {add = true}
      %dma_start3A_831 = arith.constant 1 : i32
      %dma_start3A_832 = arith.constant 5 : i32
      %dma_start3A_833 = arith.constant 5 : i32
      %dma_start3A_834 = arith.constant 0 : i32
      %dma_start3A_835 = arith.constant 0 : i32
      %dma_start3A_836 = tpu.memref_slice %arg6[%dma_start3A_831, %dma_start3A_832, %dma_start3A_834, %dma_start3A_835] : memref<2x8x125x16xf32, #tpu.memory_space<vmem>> -> memref<1x1x125x16xf32, #tpu.memory_space<vmem>>
      %dma_start3A_837 = tpu.memref_squeeze %dma_start3A_836 : memref<1x1x125x16xf32, #tpu.memory_space<vmem>> -> memref<125x16xf32, #tpu.memory_space<vmem>>
      %dma_start3A_838 = arith.constant 0 : i32
      %dma_start3A_839 = tpu.memref_slice %arg5[%add3A_629, %dma_start3A_833, %dma_start3A_838] : memref<10x8x125xi32, #tpu.memory_space<vmem>> -> memref<1x1x125xi32, #tpu.memory_space<vmem>>
      %dma_start3A_840 = tpu.memref_squeeze %dma_start3A_839 : memref<1x1x125xi32, #tpu.memory_space<vmem>> -> memref<125xi32, #tpu.memory_space<vmem>>
      %dma_start3A_841 = arith.constant 0 : i32
      %dma_start3A_842 = arith.constant 0 : i32
      %dma_start3A_843 = tpu.memref_slice %arg8[%dma_start3A_841, %dma_start3A_842] : memref<10112x16xf32, #tpu.memory_space<vmem_shared>> -> memref<10112x16xf32, #tpu.memory_space<vmem_shared>>
      tpu.enqueue_indirect_dma source(%dma_start3A_837 : memref<125x16xf32, #tpu.memory_space<vmem>>) target(%dma_start3A_843 : memref<10112x16xf32, #tpu.memory_space<vmem_shared>>) offsets(%dma_start3A_840 : memref<125xi32, #tpu.memory_space<vmem>>) semaphore(%arg11 : memref<!tpu.dma_semaphore, #tpu.memory_space<semaphore_mem>>) {add = true}
      %dma_start3A_844 = arith.constant 1 : i32
      %dma_start3A_845 = arith.constant 6 : i32
      %dma_start3A_846 = arith.constant 6 : i32
      %dma_start3A_847 = arith.constant 0 : i32
      %dma_start3A_848 = arith.constant 0 : i32
      %dma_start3A_849 = tpu.memref_slice %arg6[%dma_start3A_844, %dma_start3A_845, %dma_start3A_847, %dma_start3A_848] : memref<2x8x125x16xf32, #tpu.memory_space<vmem>> -> memref<1x1x125x16xf32, #tpu.memory_space<vmem>>
      %dma_start3A_850 = tpu.memref_squeeze %dma_start3A_849 : memref<1x1x125x16xf32, #tpu.memory_space<vmem>> -> memref<125x16xf32, #tpu.memory_space<vmem>>
      %dma_start3A_851 = arith.constant 0 : i32
      %dma_start3A_852 = tpu.memref_slice %arg5[%add3A_629, %dma_start3A_846, %dma_start3A_851] : memref<10x8x125xi32, #tpu.memory_space<vmem>> -> memref<1x1x125xi32, #tpu.memory_space<vmem>>
      %dma_start3A_853 = tpu.memref_squeeze %dma_start3A_852 : memref<1x1x125xi32, #tpu.memory_space<vmem>> -> memref<125xi32, #tpu.memory_space<vmem>>
      %dma_start3A_854 = arith.constant 0 : i32
      %dma_start3A_855 = arith.constant 0 : i32
      %dma_start3A_856 = tpu.memref_slice %arg8[%dma_start3A_854, %dma_start3A_855] : memref<10112x16xf32, #tpu.memory_space<vmem_shared>> -> memref<10112x16xf32, #tpu.memory_space<vmem_shared>>
      tpu.enqueue_indirect_dma source(%dma_start3A_850 : memref<125x16xf32, #tpu.memory_space<vmem>>) target(%dma_start3A_856 : memref<10112x16xf32, #tpu.memory_space<vmem_shared>>) offsets(%dma_start3A_853 : memref<125xi32, #tpu.memory_space<vmem>>) semaphore(%arg11 : memref<!tpu.dma_semaphore, #tpu.memory_space<semaphore_mem>>) {add = true}
      %dma_start3A_857 = arith.constant 1 : i32
      %dma_start3A_858 = arith.constant 7 : i32
      %dma_start3A_859 = arith.constant 7 : i32
      %dma_start3A_860 = arith.constant 0 : i32
      %dma_start3A_861 = arith.constant 0 : i32
      %dma_start3A_862 = tpu.memref_slice %arg6[%dma_start3A_857, %dma_start3A_858, %dma_start3A_860, %dma_start3A_861] : memref<2x8x125x16xf32, #tpu.memory_space<vmem>> -> memref<1x1x125x16xf32, #tpu.memory_space<vmem>>
      %dma_start3A_863 = tpu.memref_squeeze %dma_start3A_862 : memref<1x1x125x16xf32, #tpu.memory_space<vmem>> -> memref<125x16xf32, #tpu.memory_space<vmem>>
      %dma_start3A_864 = arith.constant 0 : i32
      %dma_start3A_865 = tpu.memref_slice %arg5[%add3A_629, %dma_start3A_859, %dma_start3A_864] : memref<10x8x125xi32, #tpu.memory_space<vmem>> -> memref<1x1x125xi32, #tpu.memory_space<vmem>>
      %dma_start3A_866 = tpu.memref_squeeze %dma_start3A_865 : memref<1x1x125xi32, #tpu.memory_space<vmem>> -> memref<125xi32, #tpu.memory_space<vmem>>
      %dma_start3A_867 = arith.constant 0 : i32
      %dma_start3A_868 = arith.constant 0 : i32
      %dma_start3A_869 = tpu.memref_slice %arg8[%dma_start3A_867, %dma_start3A_868] : memref<10112x16xf32, #tpu.memory_space<vmem_shared>> -> memref<10112x16xf32, #tpu.memory_space<vmem_shared>>
      tpu.enqueue_indirect_dma source(%dma_start3A_863 : memref<125x16xf32, #tpu.memory_space<vmem>>) target(%dma_start3A_869 : memref<10112x16xf32, #tpu.memory_space<vmem_shared>>) offsets(%dma_start3A_866 : memref<125xi32, #tpu.memory_space<vmem>>) semaphore(%arg11 : memref<!tpu.dma_semaphore, #tpu.memory_space<semaphore_mem>>) {add = true}
      %dma_wait3A_870 = arith.constant 1 : i32
      %dma_wait3A_871 = arith.constant 0 : i32
      %dma_wait3A_872 = arith.constant 0 : i32
      %dma_wait3A_873 = arith.constant 0 : i32
      %dma_wait3A_874 = arith.constant 0 : i32
      %dma_wait3A_875 = tpu.memref_slice %arg6[%dma_wait3A_870, %dma_wait3A_871, %dma_wait3A_873, %dma_wait3A_874] : memref<2x8x125x16xf32, #tpu.memory_space<vmem>> -> memref<1x1x125x16xf32, #tpu.memory_space<vmem>>
      %dma_wait3A_876 = tpu.memref_squeeze %dma_wait3A_875 : memref<1x1x125x16xf32, #tpu.memory_space<vmem>> -> memref<125x16xf32, #tpu.memory_space<vmem>>
      %dma_wait3A_877 = arith.constant 0 : i32
      %dma_wait3A_878 = tpu.memref_slice %arg5[%add3A_629, %dma_wait3A_872, %dma_wait3A_877] : memref<10x8x125xi32, #tpu.memory_space<vmem>> -> memref<1x1x125xi32, #tpu.memory_space<vmem>>
      %dma_wait3A_879 = tpu.memref_squeeze %dma_wait3A_878 : memref<1x1x125xi32, #tpu.memory_space<vmem>> -> memref<125xi32, #tpu.memory_space<vmem>>
      %dma_wait3A_880 = arith.constant 0 : i32
      %dma_wait3A_881 = arith.constant 0 : i32
      %dma_wait3A_882 = tpu.memref_slice %arg8[%dma_wait3A_880, %dma_wait3A_881] : memref<10112x16xf32, #tpu.memory_space<vmem_shared>> -> memref<10112x16xf32, #tpu.memory_space<vmem_shared>>
      tpu.wait_indirect_dma semaphore(%arg11 : memref<!tpu.dma_semaphore, #tpu.memory_space<semaphore_mem>>) src(%dma_wait3A_876 : memref<125x16xf32, #tpu.memory_space<vmem>>) dst(%dma_wait3A_882 : memref<10112x16xf32, #tpu.memory_space<vmem_shared>>)
      %dma_wait3A_883 = arith.constant 1 : i32
      %dma_wait3A_884 = arith.constant 1 : i32
      %dma_wait3A_885 = arith.constant 1 : i32
      %dma_wait3A_886 = arith.constant 0 : i32
      %dma_wait3A_887 = arith.constant 0 : i32
      %dma_wait3A_888 = tpu.memref_slice %arg6[%dma_wait3A_883, %dma_wait3A_884, %dma_wait3A_886, %dma_wait3A_887] : memref<2x8x125x16xf32, #tpu.memory_space<vmem>> -> memref<1x1x125x16xf32, #tpu.memory_space<vmem>>
      %dma_wait3A_889 = tpu.memref_squeeze %dma_wait3A_888 : memref<1x1x125x16xf32, #tpu.memory_space<vmem>> -> memref<125x16xf32, #tpu.memory_space<vmem>>
      %dma_wait3A_890 = arith.constant 0 : i32
      %dma_wait3A_891 = tpu.memref_slice %arg5[%add3A_629, %dma_wait3A_885, %dma_wait3A_890] : memref<10x8x125xi32, #tpu.memory_space<vmem>> -> memref<1x1x125xi32, #tpu.memory_space<vmem>>
      %dma_wait3A_892 = tpu.memref_squeeze %dma_wait3A_891 : memref<1x1x125xi32, #tpu.memory_space<vmem>> -> memref<125xi32, #tpu.memory_space<vmem>>
      %dma_wait3A_893 = arith.constant 0 : i32
      %dma_wait3A_894 = arith.constant 0 : i32
      %dma_wait3A_895 = tpu.memref_slice %arg8[%dma_wait3A_893, %dma_wait3A_894] : memref<10112x16xf32, #tpu.memory_space<vmem_shared>> -> memref<10112x16xf32, #tpu.memory_space<vmem_shared>>
      tpu.wait_indirect_dma semaphore(%arg11 : memref<!tpu.dma_semaphore, #tpu.memory_space<semaphore_mem>>) src(%dma_wait3A_889 : memref<125x16xf32, #tpu.memory_space<vmem>>) dst(%dma_wait3A_895 : memref<10112x16xf32, #tpu.memory_space<vmem_shared>>)
      %dma_wait3A_896 = arith.constant 1 : i32
      %dma_wait3A_897 = arith.constant 2 : i32
      %dma_wait3A_898 = arith.constant 2 : i32
      %dma_wait3A_899 = arith.constant 0 : i32
      %dma_wait3A_900 = arith.constant 0 : i32
      %dma_wait3A_901 = tpu.memref_slice %arg6[%dma_wait3A_896, %dma_wait3A_897, %dma_wait3A_899, %dma_wait3A_900] : memref<2x8x125x16xf32, #tpu.memory_space<vmem>> -> memref<1x1x125x16xf32, #tpu.memory_space<vmem>>
      %dma_wait3A_902 = tpu.memref_squeeze %dma_wait3A_901 : memref<1x1x125x16xf32, #tpu.memory_space<vmem>> -> memref<125x16xf32, #tpu.memory_space<vmem>>
      %dma_wait3A_903 = arith.constant 0 : i32
      %dma_wait3A_904 = tpu.memref_slice %arg5[%add3A_629, %dma_wait3A_898, %dma_wait3A_903] : memref<10x8x125xi32, #tpu.memory_space<vmem>> -> memref<1x1x125xi32, #tpu.memory_space<vmem>>
      %dma_wait3A_905 = tpu.memref_squeeze %dma_wait3A_904 : memref<1x1x125xi32, #tpu.memory_space<vmem>> -> memref<125xi32, #tpu.memory_space<vmem>>
      %dma_wait3A_906 = arith.constant 0 : i32
      %dma_wait3A_907 = arith.constant 0 : i32
      %dma_wait3A_908 = tpu.memref_slice %arg8[%dma_wait3A_906, %dma_wait3A_907] : memref<10112x16xf32, #tpu.memory_space<vmem_shared>> -> memref<10112x16xf32, #tpu.memory_space<vmem_shared>>
      tpu.wait_indirect_dma semaphore(%arg11 : memref<!tpu.dma_semaphore, #tpu.memory_space<semaphore_mem>>) src(%dma_wait3A_902 : memref<125x16xf32, #tpu.memory_space<vmem>>) dst(%dma_wait3A_908 : memref<10112x16xf32, #tpu.memory_space<vmem_shared>>)
      %dma_wait3A_909 = arith.constant 1 : i32
      %dma_wait3A_910 = arith.constant 3 : i32
      %dma_wait3A_911 = arith.constant 3 : i32
      %dma_wait3A_912 = arith.constant 0 : i32
      %dma_wait3A_913 = arith.constant 0 : i32
      %dma_wait3A_914 = tpu.memref_slice %arg6[%dma_wait3A_909, %dma_wait3A_910, %dma_wait3A_912, %dma_wait3A_913] : memref<2x8x125x16xf32, #tpu.memory_space<vmem>> -> memref<1x1x125x16xf32, #tpu.memory_space<vmem>>
      %dma_wait3A_915 = tpu.memref_squeeze %dma_wait3A_914 : memref<1x1x125x16xf32, #tpu.memory_space<vmem>> -> memref<125x16xf32, #tpu.memory_space<vmem>>
      %dma_wait3A_916 = arith.constant 0 : i32
      %dma_wait3A_917 = tpu.memref_slice %arg5[%add3A_629, %dma_wait3A_911, %dma_wait3A_916] : memref<10x8x125xi32, #tpu.memory_space<vmem>> -> memref<1x1x125xi32, #tpu.memory_space<vmem>>
      %dma_wait3A_918 = tpu.memref_squeeze %dma_wait3A_917 : memref<1x1x125xi32, #tpu.memory_space<vmem>> -> memref<125xi32, #tpu.memory_space<vmem>>
      %dma_wait3A_919 = arith.constant 0 : i32
      %dma_wait3A_920 = arith.constant 0 : i32
      %dma_wait3A_921 = tpu.memref_slice %arg8[%dma_wait3A_919, %dma_wait3A_920] : memref<10112x16xf32, #tpu.memory_space<vmem_shared>> -> memref<10112x16xf32, #tpu.memory_space<vmem_shared>>
      tpu.wait_indirect_dma semaphore(%arg11 : memref<!tpu.dma_semaphore, #tpu.memory_space<semaphore_mem>>) src(%dma_wait3A_915 : memref<125x16xf32, #tpu.memory_space<vmem>>) dst(%dma_wait3A_921 : memref<10112x16xf32, #tpu.memory_space<vmem_shared>>)
      %dma_wait3A_922 = arith.constant 1 : i32
      %dma_wait3A_923 = arith.constant 4 : i32
      %dma_wait3A_924 = arith.constant 4 : i32
      %dma_wait3A_925 = arith.constant 0 : i32
      %dma_wait3A_926 = arith.constant 0 : i32
      %dma_wait3A_927 = tpu.memref_slice %arg6[%dma_wait3A_922, %dma_wait3A_923, %dma_wait3A_925, %dma_wait3A_926] : memref<2x8x125x16xf32, #tpu.memory_space<vmem>> -> memref<1x1x125x16xf32, #tpu.memory_space<vmem>>
      %dma_wait3A_928 = tpu.memref_squeeze %dma_wait3A_927 : memref<1x1x125x16xf32, #tpu.memory_space<vmem>> -> memref<125x16xf32, #tpu.memory_space<vmem>>
      %dma_wait3A_929 = arith.constant 0 : i32
      %dma_wait3A_930 = tpu.memref_slice %arg5[%add3A_629, %dma_wait3A_924, %dma_wait3A_929] : memref<10x8x125xi32, #tpu.memory_space<vmem>> -> memref<1x1x125xi32, #tpu.memory_space<vmem>>
      %dma_wait3A_931 = tpu.memref_squeeze %dma_wait3A_930 : memref<1x1x125xi32, #tpu.memory_space<vmem>> -> memref<125xi32, #tpu.memory_space<vmem>>
      %dma_wait3A_932 = arith.constant 0 : i32
      %dma_wait3A_933 = arith.constant 0 : i32
      %dma_wait3A_934 = tpu.memref_slice %arg8[%dma_wait3A_932, %dma_wait3A_933] : memref<10112x16xf32, #tpu.memory_space<vmem_shared>> -> memref<10112x16xf32, #tpu.memory_space<vmem_shared>>
      tpu.wait_indirect_dma semaphore(%arg11 : memref<!tpu.dma_semaphore, #tpu.memory_space<semaphore_mem>>) src(%dma_wait3A_928 : memref<125x16xf32, #tpu.memory_space<vmem>>) dst(%dma_wait3A_934 : memref<10112x16xf32, #tpu.memory_space<vmem_shared>>)
      %dma_wait3A_935 = arith.constant 1 : i32
      %dma_wait3A_936 = arith.constant 5 : i32
      %dma_wait3A_937 = arith.constant 5 : i32
      %dma_wait3A_938 = arith.constant 0 : i32
      %dma_wait3A_939 = arith.constant 0 : i32
      %dma_wait3A_940 = tpu.memref_slice %arg6[%dma_wait3A_935, %dma_wait3A_936, %dma_wait3A_938, %dma_wait3A_939] : memref<2x8x125x16xf32, #tpu.memory_space<vmem>> -> memref<1x1x125x16xf32, #tpu.memory_space<vmem>>
      %dma_wait3A_941 = tpu.memref_squeeze %dma_wait3A_940 : memref<1x1x125x16xf32, #tpu.memory_space<vmem>> -> memref<125x16xf32, #tpu.memory_space<vmem>>
      %dma_wait3A_942 = arith.constant 0 : i32
      %dma_wait3A_943 = tpu.memref_slice %arg5[%add3A_629, %dma_wait3A_937, %dma_wait3A_942] : memref<10x8x125xi32, #tpu.memory_space<vmem>> -> memref<1x1x125xi32, #tpu.memory_space<vmem>>
      %dma_wait3A_944 = tpu.memref_squeeze %dma_wait3A_943 : memref<1x1x125xi32, #tpu.memory_space<vmem>> -> memref<125xi32, #tpu.memory_space<vmem>>
      %dma_wait3A_945 = arith.constant 0 : i32
      %dma_wait3A_946 = arith.constant 0 : i32
      %dma_wait3A_947 = tpu.memref_slice %arg8[%dma_wait3A_945, %dma_wait3A_946] : memref<10112x16xf32, #tpu.memory_space<vmem_shared>> -> memref<10112x16xf32, #tpu.memory_space<vmem_shared>>
      tpu.wait_indirect_dma semaphore(%arg11 : memref<!tpu.dma_semaphore, #tpu.memory_space<semaphore_mem>>) src(%dma_wait3A_941 : memref<125x16xf32, #tpu.memory_space<vmem>>) dst(%dma_wait3A_947 : memref<10112x16xf32, #tpu.memory_space<vmem_shared>>)
      %dma_wait3A_948 = arith.constant 1 : i32
      %dma_wait3A_949 = arith.constant 6 : i32
      %dma_wait3A_950 = arith.constant 6 : i32
      %dma_wait3A_951 = arith.constant 0 : i32
      %dma_wait3A_952 = arith.constant 0 : i32
      %dma_wait3A_953 = tpu.memref_slice %arg6[%dma_wait3A_948, %dma_wait3A_949, %dma_wait3A_951, %dma_wait3A_952] : memref<2x8x125x16xf32, #tpu.memory_space<vmem>> -> memref<1x1x125x16xf32, #tpu.memory_space<vmem>>
      %dma_wait3A_954 = tpu.memref_squeeze %dma_wait3A_953 : memref<1x1x125x16xf32, #tpu.memory_space<vmem>> -> memref<125x16xf32, #tpu.memory_space<vmem>>
      %dma_wait3A_955 = arith.constant 0 : i32
      %dma_wait3A_956 = tpu.memref_slice %arg5[%add3A_629, %dma_wait3A_950, %dma_wait3A_955] : memref<10x8x125xi32, #tpu.memory_space<vmem>> -> memref<1x1x125xi32, #tpu.memory_space<vmem>>
      %dma_wait3A_957 = tpu.memref_squeeze %dma_wait3A_956 : memref<1x1x125xi32, #tpu.memory_space<vmem>> -> memref<125xi32, #tpu.memory_space<vmem>>
      %dma_wait3A_958 = arith.constant 0 : i32
      %dma_wait3A_959 = arith.constant 0 : i32
      %dma_wait3A_960 = tpu.memref_slice %arg8[%dma_wait3A_958, %dma_wait3A_959] : memref<10112x16xf32, #tpu.memory_space<vmem_shared>> -> memref<10112x16xf32, #tpu.memory_space<vmem_shared>>
      tpu.wait_indirect_dma semaphore(%arg11 : memref<!tpu.dma_semaphore, #tpu.memory_space<semaphore_mem>>) src(%dma_wait3A_954 : memref<125x16xf32, #tpu.memory_space<vmem>>) dst(%dma_wait3A_960 : memref<10112x16xf32, #tpu.memory_space<vmem_shared>>)
      %dma_wait3A_961 = arith.constant 1 : i32
      %dma_wait3A_962 = arith.constant 7 : i32
      %dma_wait3A_963 = arith.constant 7 : i32
      %dma_wait3A_964 = arith.constant 0 : i32
      %dma_wait3A_965 = arith.constant 0 : i32
      %dma_wait3A_966 = tpu.memref_slice %arg6[%dma_wait3A_961, %dma_wait3A_962, %dma_wait3A_964, %dma_wait3A_965] : memref<2x8x125x16xf32, #tpu.memory_space<vmem>> -> memref<1x1x125x16xf32, #tpu.memory_space<vmem>>
      %dma_wait3A_967 = tpu.memref_squeeze %dma_wait3A_966 : memref<1x1x125x16xf32, #tpu.memory_space<vmem>> -> memref<125x16xf32, #tpu.memory_space<vmem>>
      %dma_wait3A_968 = arith.constant 0 : i32
      %dma_wait3A_969 = tpu.memref_slice %arg5[%add3A_629, %dma_wait3A_963, %dma_wait3A_968] : memref<10x8x125xi32, #tpu.memory_space<vmem>> -> memref<1x1x125xi32, #tpu.memory_space<vmem>>
      %dma_wait3A_970 = tpu.memref_squeeze %dma_wait3A_969 : memref<1x1x125xi32, #tpu.memory_space<vmem>> -> memref<125xi32, #tpu.memory_space<vmem>>
      %dma_wait3A_971 = arith.constant 0 : i32
      %dma_wait3A_972 = arith.constant 0 : i32
      %dma_wait3A_973 = tpu.memref_slice %arg8[%dma_wait3A_971, %dma_wait3A_972] : memref<10112x16xf32, #tpu.memory_space<vmem_shared>> -> memref<10112x16xf32, #tpu.memory_space<vmem_shared>>
      tpu.wait_indirect_dma semaphore(%arg11 : memref<!tpu.dma_semaphore, #tpu.memory_space<semaphore_mem>>) src(%dma_wait3A_967 : memref<125x16xf32, #tpu.memory_space<vmem>>) dst(%dma_wait3A_973 : memref<10112x16xf32, #tpu.memory_space<vmem_shared>>)
      %add3A_974 = arith.constant 2 : i32
      %add3A_975 = arith.addi %add3A_629, %add3A_974 : i32
      %lt3A_976 = arith.constant 10 : i32
      %lt3A_977 = arith.cmpi slt, %add3A_975, %lt3A_976 : i32
      %convert_element_type3A_978 = arith.extui %lt3A_977 : i1 to i32
      %cond3A_979 = arith.constant 0 : i32
      %cond3A_980 = arith.cmpi ne, %convert_element_type3A_978, %cond3A_979 : i32
      scf.if %cond3A_980 {
        %add3A_981 = arith.constant 2 : i32
        %add3A_982 = arith.addi %add3A_629, %add3A_981 : i32
        %mul3A_983 = arith.constant 125 : i32
        %mul3A_984 = arith.muli %add3A_982, %mul3A_983 : i32
        %add3A_985 = arith.addi %mul3A_2, %mul3A_984 : i32
        %mul3A_986 = arith.constant 125 : i32
        %mul3A_987 = arith.muli %add3A_982, %mul3A_986 : i32
        %add3A_988 = arith.addi %mul3A_2, %mul3A_987 : i32
        %mul3A_989 = arith.constant 125 : i32
        %mul3A_990 = arith.muli %add3A_982, %mul3A_989 : i32
        %add3A_991 = arith.addi %mul3A_2, %mul3A_990 : i32
        %mul3A_992 = arith.constant 125 : i32
        %mul3A_993 = arith.muli %add3A_982, %mul3A_992 : i32
        %add3A_994 = arith.addi %mul3A_2, %mul3A_993 : i32
        %mul3A_995 = arith.constant 125 : i32
        %mul3A_996 = arith.muli %add3A_982, %mul3A_995 : i32
        %add3A_997 = arith.addi %mul3A_2, %mul3A_996 : i32
        %mul3A_998 = arith.constant 125 : i32
        %mul3A_999 = arith.muli %add3A_982, %mul3A_998 : i32
        %add3A_1000 = arith.addi %mul3A_2, %mul3A_999 : i32
        %mul3A_1001 = arith.constant 125 : i32
        %mul3A_1002 = arith.muli %add3A_982, %mul3A_1001 : i32
        %add3A_1003 = arith.addi %mul3A_2, %mul3A_1002 : i32
        %mul3A_1004 = arith.constant 125 : i32
        %mul3A_1005 = arith.muli %add3A_982, %mul3A_1004 : i32
        %add3A_1006 = arith.addi %mul3A_2, %mul3A_1005 : i32
        %dma_start3A_1007 = arith.constant 1 : i32
        %dma_start3A_1008 = arith.constant 0 : i32
        %dma_start3A_1009 = arith.constant 0 : i32
        %dma_start3A_1010 = arith.constant 0 : i32
        %dma_start3A_1011 = tpu.memref_slice %arg6[%dma_start3A_1007, %dma_start3A_1008, %dma_start3A_1009, %dma_start3A_1010] : memref<2x8x125x16xf32, #tpu.memory_space<vmem>> -> memref<1x1x125x16xf32, #tpu.memory_space<vmem>>
        %dma_start3A_1012 = tpu.memref_squeeze %dma_start3A_1011 : memref<1x1x125x16xf32, #tpu.memory_space<vmem>> -> memref<125x16xf32, #tpu.memory_space<vmem>>
        %dma_start3A_1013 = arith.constant 0 : i32
        %dma_start3A_1014 = tpu.memref_slice %arg2[%add3A_985, %dma_start3A_1013] : memref<40000x128xf32, #tpu.memory_space<hbm>> -> memref<125x16xf32, #tpu.memory_space<hbm>>
        %dma_start3A_1015 = arith.constant 0 : i32
        %dma_start3A_1016 = arith.constant 0 : i32
        %dma_start3A_1017 = tpu.memref_slice %arg6[%dma_start3A_1007, %dma_start3A_1008, %dma_start3A_1015, %dma_start3A_1016] : memref<2x8x125x16xf32, #tpu.memory_space<vmem>> -> memref<1x1x125x16xf32, #tpu.memory_space<vmem>>
        %dma_start3A_1018 = tpu.memref_squeeze %dma_start3A_1017 : memref<1x1x125x16xf32, #tpu.memory_space<vmem>> -> memref<125x16xf32, #tpu.memory_space<vmem>>
        %dma_start3A_1019 = arith.constant 0 : i32
        %dma_start3A_1020 = tpu.memref_slice %arg2[%add3A_985, %dma_start3A_1019] : memref<40000x128xf32, #tpu.memory_space<hbm>> -> memref<125x16xf32, #tpu.memory_space<hbm>>
        tpu.enqueue_dma source(%dma_start3A_1020 : memref<125x16xf32, #tpu.memory_space<hbm>>) target(%dma_start3A_1018 : memref<125x16xf32, #tpu.memory_space<vmem>>) target_semaphore(%arg10 : memref<!tpu.dma_semaphore, #tpu.memory_space<semaphore_mem>>)
        %dma_start3A_1021 = arith.constant 1 : i32
        %dma_start3A_1022 = arith.constant 1 : i32
        %dma_start3A_1023 = arith.constant 0 : i32
        %dma_start3A_1024 = arith.constant 0 : i32
        %dma_start3A_1025 = tpu.memref_slice %arg6[%dma_start3A_1021, %dma_start3A_1022, %dma_start3A_1023, %dma_start3A_1024] : memref<2x8x125x16xf32, #tpu.memory_space<vmem>> -> memref<1x1x125x16xf32, #tpu.memory_space<vmem>>
        %dma_start3A_1026 = tpu.memref_squeeze %dma_start3A_1025 : memref<1x1x125x16xf32, #tpu.memory_space<vmem>> -> memref<125x16xf32, #tpu.memory_space<vmem>>
        %dma_start3A_1027 = arith.constant 16 : i32
        %dma_start3A_1028 = tpu.memref_slice %arg2[%add3A_988, %dma_start3A_1027] : memref<40000x128xf32, #tpu.memory_space<hbm>> -> memref<125x16xf32, #tpu.memory_space<hbm>>
        %dma_start3A_1029 = arith.constant 0 : i32
        %dma_start3A_1030 = arith.constant 0 : i32
        %dma_start3A_1031 = tpu.memref_slice %arg6[%dma_start3A_1021, %dma_start3A_1022, %dma_start3A_1029, %dma_start3A_1030] : memref<2x8x125x16xf32, #tpu.memory_space<vmem>> -> memref<1x1x125x16xf32, #tpu.memory_space<vmem>>
        %dma_start3A_1032 = tpu.memref_squeeze %dma_start3A_1031 : memref<1x1x125x16xf32, #tpu.memory_space<vmem>> -> memref<125x16xf32, #tpu.memory_space<vmem>>
        %dma_start3A_1033 = arith.constant 16 : i32
        %dma_start3A_1034 = tpu.memref_slice %arg2[%add3A_988, %dma_start3A_1033] : memref<40000x128xf32, #tpu.memory_space<hbm>> -> memref<125x16xf32, #tpu.memory_space<hbm>>
        tpu.enqueue_dma source(%dma_start3A_1034 : memref<125x16xf32, #tpu.memory_space<hbm>>) target(%dma_start3A_1032 : memref<125x16xf32, #tpu.memory_space<vmem>>) target_semaphore(%arg10 : memref<!tpu.dma_semaphore, #tpu.memory_space<semaphore_mem>>)
        %dma_start3A_1035 = arith.constant 1 : i32
        %dma_start3A_1036 = arith.constant 2 : i32
        %dma_start3A_1037 = arith.constant 0 : i32
        %dma_start3A_1038 = arith.constant 0 : i32
        %dma_start3A_1039 = tpu.memref_slice %arg6[%dma_start3A_1035, %dma_start3A_1036, %dma_start3A_1037, %dma_start3A_1038] : memref<2x8x125x16xf32, #tpu.memory_space<vmem>> -> memref<1x1x125x16xf32, #tpu.memory_space<vmem>>
        %dma_start3A_1040 = tpu.memref_squeeze %dma_start3A_1039 : memref<1x1x125x16xf32, #tpu.memory_space<vmem>> -> memref<125x16xf32, #tpu.memory_space<vmem>>
        %dma_start3A_1041 = arith.constant 32 : i32
        %dma_start3A_1042 = tpu.memref_slice %arg2[%add3A_991, %dma_start3A_1041] : memref<40000x128xf32, #tpu.memory_space<hbm>> -> memref<125x16xf32, #tpu.memory_space<hbm>>
        %dma_start3A_1043 = arith.constant 0 : i32
        %dma_start3A_1044 = arith.constant 0 : i32
        %dma_start3A_1045 = tpu.memref_slice %arg6[%dma_start3A_1035, %dma_start3A_1036, %dma_start3A_1043, %dma_start3A_1044] : memref<2x8x125x16xf32, #tpu.memory_space<vmem>> -> memref<1x1x125x16xf32, #tpu.memory_space<vmem>>
        %dma_start3A_1046 = tpu.memref_squeeze %dma_start3A_1045 : memref<1x1x125x16xf32, #tpu.memory_space<vmem>> -> memref<125x16xf32, #tpu.memory_space<vmem>>
        %dma_start3A_1047 = arith.constant 32 : i32
        %dma_start3A_1048 = tpu.memref_slice %arg2[%add3A_991, %dma_start3A_1047] : memref<40000x128xf32, #tpu.memory_space<hbm>> -> memref<125x16xf32, #tpu.memory_space<hbm>>
        tpu.enqueue_dma source(%dma_start3A_1048 : memref<125x16xf32, #tpu.memory_space<hbm>>) target(%dma_start3A_1046 : memref<125x16xf32, #tpu.memory_space<vmem>>) target_semaphore(%arg10 : memref<!tpu.dma_semaphore, #tpu.memory_space<semaphore_mem>>)
        %dma_start3A_1049 = arith.constant 1 : i32
        %dma_start3A_1050 = arith.constant 3 : i32
        %dma_start3A_1051 = arith.constant 0 : i32
        %dma_start3A_1052 = arith.constant 0 : i32
        %dma_start3A_1053 = tpu.memref_slice %arg6[%dma_start3A_1049, %dma_start3A_1050, %dma_start3A_1051, %dma_start3A_1052] : memref<2x8x125x16xf32, #tpu.memory_space<vmem>> -> memref<1x1x125x16xf32, #tpu.memory_space<vmem>>
        %dma_start3A_1054 = tpu.memref_squeeze %dma_start3A_1053 : memref<1x1x125x16xf32, #tpu.memory_space<vmem>> -> memref<125x16xf32, #tpu.memory_space<vmem>>
        %dma_start3A_1055 = arith.constant 48 : i32
        %dma_start3A_1056 = tpu.memref_slice %arg2[%add3A_994, %dma_start3A_1055] : memref<40000x128xf32, #tpu.memory_space<hbm>> -> memref<125x16xf32, #tpu.memory_space<hbm>>
        %dma_start3A_1057 = arith.constant 0 : i32
        %dma_start3A_1058 = arith.constant 0 : i32
        %dma_start3A_1059 = tpu.memref_slice %arg6[%dma_start3A_1049, %dma_start3A_1050, %dma_start3A_1057, %dma_start3A_1058] : memref<2x8x125x16xf32, #tpu.memory_space<vmem>> -> memref<1x1x125x16xf32, #tpu.memory_space<vmem>>
        %dma_start3A_1060 = tpu.memref_squeeze %dma_start3A_1059 : memref<1x1x125x16xf32, #tpu.memory_space<vmem>> -> memref<125x16xf32, #tpu.memory_space<vmem>>
        %dma_start3A_1061 = arith.constant 48 : i32
        %dma_start3A_1062 = tpu.memref_slice %arg2[%add3A_994, %dma_start3A_1061] : memref<40000x128xf32, #tpu.memory_space<hbm>> -> memref<125x16xf32, #tpu.memory_space<hbm>>
        tpu.enqueue_dma source(%dma_start3A_1062 : memref<125x16xf32, #tpu.memory_space<hbm>>) target(%dma_start3A_1060 : memref<125x16xf32, #tpu.memory_space<vmem>>) target_semaphore(%arg10 : memref<!tpu.dma_semaphore, #tpu.memory_space<semaphore_mem>>)
        %dma_start3A_1063 = arith.constant 1 : i32
        %dma_start3A_1064 = arith.constant 4 : i32
        %dma_start3A_1065 = arith.constant 0 : i32
        %dma_start3A_1066 = arith.constant 0 : i32
        %dma_start3A_1067 = tpu.memref_slice %arg6[%dma_start3A_1063, %dma_start3A_1064, %dma_start3A_1065, %dma_start3A_1066] : memref<2x8x125x16xf32, #tpu.memory_space<vmem>> -> memref<1x1x125x16xf32, #tpu.memory_space<vmem>>
        %dma_start3A_1068 = tpu.memref_squeeze %dma_start3A_1067 : memref<1x1x125x16xf32, #tpu.memory_space<vmem>> -> memref<125x16xf32, #tpu.memory_space<vmem>>
        %dma_start3A_1069 = arith.constant 64 : i32
        %dma_start3A_1070 = tpu.memref_slice %arg2[%add3A_997, %dma_start3A_1069] : memref<40000x128xf32, #tpu.memory_space<hbm>> -> memref<125x16xf32, #tpu.memory_space<hbm>>
        %dma_start3A_1071 = arith.constant 0 : i32
        %dma_start3A_1072 = arith.constant 0 : i32
        %dma_start3A_1073 = tpu.memref_slice %arg6[%dma_start3A_1063, %dma_start3A_1064, %dma_start3A_1071, %dma_start3A_1072] : memref<2x8x125x16xf32, #tpu.memory_space<vmem>> -> memref<1x1x125x16xf32, #tpu.memory_space<vmem>>
        %dma_start3A_1074 = tpu.memref_squeeze %dma_start3A_1073 : memref<1x1x125x16xf32, #tpu.memory_space<vmem>> -> memref<125x16xf32, #tpu.memory_space<vmem>>
        %dma_start3A_1075 = arith.constant 64 : i32
        %dma_start3A_1076 = tpu.memref_slice %arg2[%add3A_997, %dma_start3A_1075] : memref<40000x128xf32, #tpu.memory_space<hbm>> -> memref<125x16xf32, #tpu.memory_space<hbm>>
        tpu.enqueue_dma source(%dma_start3A_1076 : memref<125x16xf32, #tpu.memory_space<hbm>>) target(%dma_start3A_1074 : memref<125x16xf32, #tpu.memory_space<vmem>>) target_semaphore(%arg10 : memref<!tpu.dma_semaphore, #tpu.memory_space<semaphore_mem>>)
        %dma_start3A_1077 = arith.constant 1 : i32
        %dma_start3A_1078 = arith.constant 5 : i32
        %dma_start3A_1079 = arith.constant 0 : i32
        %dma_start3A_1080 = arith.constant 0 : i32
        %dma_start3A_1081 = tpu.memref_slice %arg6[%dma_start3A_1077, %dma_start3A_1078, %dma_start3A_1079, %dma_start3A_1080] : memref<2x8x125x16xf32, #tpu.memory_space<vmem>> -> memref<1x1x125x16xf32, #tpu.memory_space<vmem>>
        %dma_start3A_1082 = tpu.memref_squeeze %dma_start3A_1081 : memref<1x1x125x16xf32, #tpu.memory_space<vmem>> -> memref<125x16xf32, #tpu.memory_space<vmem>>
        %dma_start3A_1083 = arith.constant 80 : i32
        %dma_start3A_1084 = tpu.memref_slice %arg2[%add3A_1000, %dma_start3A_1083] : memref<40000x128xf32, #tpu.memory_space<hbm>> -> memref<125x16xf32, #tpu.memory_space<hbm>>
        %dma_start3A_1085 = arith.constant 0 : i32
        %dma_start3A_1086 = arith.constant 0 : i32
        %dma_start3A_1087 = tpu.memref_slice %arg6[%dma_start3A_1077, %dma_start3A_1078, %dma_start3A_1085, %dma_start3A_1086] : memref<2x8x125x16xf32, #tpu.memory_space<vmem>> -> memref<1x1x125x16xf32, #tpu.memory_space<vmem>>
        %dma_start3A_1088 = tpu.memref_squeeze %dma_start3A_1087 : memref<1x1x125x16xf32, #tpu.memory_space<vmem>> -> memref<125x16xf32, #tpu.memory_space<vmem>>
        %dma_start3A_1089 = arith.constant 80 : i32
        %dma_start3A_1090 = tpu.memref_slice %arg2[%add3A_1000, %dma_start3A_1089] : memref<40000x128xf32, #tpu.memory_space<hbm>> -> memref<125x16xf32, #tpu.memory_space<hbm>>
        tpu.enqueue_dma source(%dma_start3A_1090 : memref<125x16xf32, #tpu.memory_space<hbm>>) target(%dma_start3A_1088 : memref<125x16xf32, #tpu.memory_space<vmem>>) target_semaphore(%arg10 : memref<!tpu.dma_semaphore, #tpu.memory_space<semaphore_mem>>)
        %dma_start3A_1091 = arith.constant 1 : i32
        %dma_start3A_1092 = arith.constant 6 : i32
        %dma_start3A_1093 = arith.constant 0 : i32
        %dma_start3A_1094 = arith.constant 0 : i32
        %dma_start3A_1095 = tpu.memref_slice %arg6[%dma_start3A_1091, %dma_start3A_1092, %dma_start3A_1093, %dma_start3A_1094] : memref<2x8x125x16xf32, #tpu.memory_space<vmem>> -> memref<1x1x125x16xf32, #tpu.memory_space<vmem>>
        %dma_start3A_1096 = tpu.memref_squeeze %dma_start3A_1095 : memref<1x1x125x16xf32, #tpu.memory_space<vmem>> -> memref<125x16xf32, #tpu.memory_space<vmem>>
        %dma_start3A_1097 = arith.constant 96 : i32
        %dma_start3A_1098 = tpu.memref_slice %arg2[%add3A_1003, %dma_start3A_1097] : memref<40000x128xf32, #tpu.memory_space<hbm>> -> memref<125x16xf32, #tpu.memory_space<hbm>>
        %dma_start3A_1099 = arith.constant 0 : i32
        %dma_start3A_1100 = arith.constant 0 : i32
        %dma_start3A_1101 = tpu.memref_slice %arg6[%dma_start3A_1091, %dma_start3A_1092, %dma_start3A_1099, %dma_start3A_1100] : memref<2x8x125x16xf32, #tpu.memory_space<vmem>> -> memref<1x1x125x16xf32, #tpu.memory_space<vmem>>
        %dma_start3A_1102 = tpu.memref_squeeze %dma_start3A_1101 : memref<1x1x125x16xf32, #tpu.memory_space<vmem>> -> memref<125x16xf32, #tpu.memory_space<vmem>>
        %dma_start3A_1103 = arith.constant 96 : i32
        %dma_start3A_1104 = tpu.memref_slice %arg2[%add3A_1003, %dma_start3A_1103] : memref<40000x128xf32, #tpu.memory_space<hbm>> -> memref<125x16xf32, #tpu.memory_space<hbm>>
        tpu.enqueue_dma source(%dma_start3A_1104 : memref<125x16xf32, #tpu.memory_space<hbm>>) target(%dma_start3A_1102 : memref<125x16xf32, #tpu.memory_space<vmem>>) target_semaphore(%arg10 : memref<!tpu.dma_semaphore, #tpu.memory_space<semaphore_mem>>)
        %dma_start3A_1105 = arith.constant 1 : i32
        %dma_start3A_1106 = arith.constant 7 : i32
        %dma_start3A_1107 = arith.constant 0 : i32
        %dma_start3A_1108 = arith.constant 0 : i32
        %dma_start3A_1109 = tpu.memref_slice %arg6[%dma_start3A_1105, %dma_start3A_1106, %dma_start3A_1107, %dma_start3A_1108] : memref<2x8x125x16xf32, #tpu.memory_space<vmem>> -> memref<1x1x125x16xf32, #tpu.memory_space<vmem>>
        %dma_start3A_1110 = tpu.memref_squeeze %dma_start3A_1109 : memref<1x1x125x16xf32, #tpu.memory_space<vmem>> -> memref<125x16xf32, #tpu.memory_space<vmem>>
        %dma_start3A_1111 = arith.constant 112 : i32
        %dma_start3A_1112 = tpu.memref_slice %arg2[%add3A_1006, %dma_start3A_1111] : memref<40000x128xf32, #tpu.memory_space<hbm>> -> memref<125x16xf32, #tpu.memory_space<hbm>>
        %dma_start3A_1113 = arith.constant 0 : i32
        %dma_start3A_1114 = arith.constant 0 : i32
        %dma_start3A_1115 = tpu.memref_slice %arg6[%dma_start3A_1105, %dma_start3A_1106, %dma_start3A_1113, %dma_start3A_1114] : memref<2x8x125x16xf32, #tpu.memory_space<vmem>> -> memref<1x1x125x16xf32, #tpu.memory_space<vmem>>
        %dma_start3A_1116 = tpu.memref_squeeze %dma_start3A_1115 : memref<1x1x125x16xf32, #tpu.memory_space<vmem>> -> memref<125x16xf32, #tpu.memory_space<vmem>>
        %dma_start3A_1117 = arith.constant 112 : i32
        %dma_start3A_1118 = tpu.memref_slice %arg2[%add3A_1006, %dma_start3A_1117] : memref<40000x128xf32, #tpu.memory_space<hbm>> -> memref<125x16xf32, #tpu.memory_space<hbm>>
        tpu.enqueue_dma source(%dma_start3A_1118 : memref<125x16xf32, #tpu.memory_space<hbm>>) target(%dma_start3A_1116 : memref<125x16xf32, #tpu.memory_space<vmem>>) target_semaphore(%arg10 : memref<!tpu.dma_semaphore, #tpu.memory_space<semaphore_mem>>)
      } else {
      }
    }
    %scan3A_268 = arith.constant 5 : i32
    %barrier3A_269 = arith.constant 0 : index
    tpu.barrier barrier_id(%barrier3A_269)
    %mul3A_270 = arith.constant 632 : i32
    %mul3A_271 = arith.muli %arg1, %mul3A_270 : i32
    "tpu.region"() ({
      %run_scoped3A = tpu.sem_alloc : memref<!tpu.dma_semaphore, #tpu.memory_space<semaphore_mem>>
      %dma_start3A_274 = arith.constant 0 : i32
      %dma_start3A_275 = tpu.memref_slice %arg8[%mul3A_271, %dma_start3A_274] : memref<10112x16xf32, #tpu.memory_space<vmem_shared>> -> memref<632x16xf32, #tpu.memory_space<vmem_shared>>
      %dma_start3A_276 = arith.constant 0 : i32
      %dma_start3A_277 = tpu.memref_slice %arg8[%mul3A_271, %dma_start3A_276] : memref<10112x16xf32, #tpu.memory_space<vmem_shared>> -> memref<632x16xf32, #tpu.memory_space<vmem_shared>>
      tpu.enqueue_dma source(%dma_start3A_277 : memref<632x16xf32, #tpu.memory_space<vmem_shared>>) target(%arg7 : memref<632x16xf32, #tpu.memory_space<vmem>>) target_semaphore(%run_scoped3A : memref<!tpu.dma_semaphore, #tpu.memory_space<semaphore_mem>>)
      %dma_wait3A = arith.constant 0 : i32
      %dma_wait3A_278 = tpu.memref_slice %arg8[%mul3A_271, %dma_wait3A] : memref<10112x16xf32, #tpu.memory_space<vmem_shared>> -> memref<632x16xf32, #tpu.memory_space<vmem_shared>>
      %dma_wait3A_279 = arith.constant 0 : i32
      %dma_wait3A_280 = tpu.memref_slice %arg8[%mul3A_271, %dma_wait3A_279] : memref<10112x16xf32, #tpu.memory_space<vmem_shared>> -> memref<632x16xf32, #tpu.memory_space<vmem_shared>>
      tpu.wait_dma2 semaphore(%run_scoped3A : memref<!tpu.dma_semaphore, #tpu.memory_space<semaphore_mem>>) src(%dma_wait3A_280 : memref<632x16xf32, #tpu.memory_space<vmem_shared>>) dst(%arg7 : memref<632x16xf32, #tpu.memory_space<vmem>>)
      tpu.yield
    }) : () -> ()
    %mul3A_272 = arith.constant 632 : i32
    %mul3A_273 = arith.muli %arg1, %mul3A_272 : i32
    "tpu.region"() ({
      %run_scoped3A = tpu.sem_alloc : memref<!tpu.dma_semaphore, #tpu.memory_space<semaphore_mem>>
      %dma_start3A_274 = arith.constant 0 : i32
      %dma_start3A_275 = tpu.memref_slice %arg4[%arg0, %mul3A_273, %dma_start3A_274] : memref<2x10112x16xf32, #tpu.memory_space<hbm>> -> memref<1x632x16xf32, #tpu.memory_space<hbm>>
      %dma_start3A_276 = tpu.memref_squeeze %dma_start3A_275 : memref<1x632x16xf32, #tpu.memory_space<hbm>> -> memref<632x16xf32, #tpu.memory_space<hbm>>
      %dma_start3A_277 = arith.constant 0 : i32
      %dma_start3A_278 = tpu.memref_slice %arg4[%arg0, %mul3A_273, %dma_start3A_277] : memref<2x10112x16xf32, #tpu.memory_space<hbm>> -> memref<1x632x16xf32, #tpu.memory_space<hbm>>
      %dma_start3A_279 = tpu.memref_squeeze %dma_start3A_278 : memref<1x632x16xf32, #tpu.memory_space<hbm>> -> memref<632x16xf32, #tpu.memory_space<hbm>>
      tpu.enqueue_dma source(%arg7 : memref<632x16xf32, #tpu.memory_space<vmem>>) target(%dma_start3A_279 : memref<632x16xf32, #tpu.memory_space<hbm>>) target_semaphore(%run_scoped3A : memref<!tpu.dma_semaphore, #tpu.memory_space<semaphore_mem>>)
      %dma_wait3A = arith.constant 0 : i32
      %dma_wait3A_280 = tpu.memref_slice %arg4[%arg0, %mul3A_273, %dma_wait3A] : memref<2x10112x16xf32, #tpu.memory_space<hbm>> -> memref<1x632x16xf32, #tpu.memory_space<hbm>>
      %dma_wait3A_281 = tpu.memref_squeeze %dma_wait3A_280 : memref<1x632x16xf32, #tpu.memory_space<hbm>> -> memref<632x16xf32, #tpu.memory_space<hbm>>
      %dma_wait3A_282 = arith.constant 0 : i32
      %dma_wait3A_283 = tpu.memref_slice %arg4[%arg0, %mul3A_273, %dma_wait3A_282] : memref<2x10112x16xf32, #tpu.memory_space<hbm>> -> memref<1x632x16xf32, #tpu.memory_space<hbm>>
      %dma_wait3A_284 = tpu.memref_squeeze %dma_wait3A_283 : memref<1x632x16xf32, #tpu.memory_space<hbm>> -> memref<632x16xf32, #tpu.memory_space<hbm>>
      tpu.wait_dma2 semaphore(%run_scoped3A : memref<!tpu.dma_semaphore, #tpu.memory_space<semaphore_mem>>) src(%arg7 : memref<632x16xf32, #tpu.memory_space<vmem>>) dst(%dma_wait3A_284 : memref<632x16xf32, #tpu.memory_space<hbm>>)
      tpu.yield
    }) : () -> ()
    return
  }
}

module attributes {stable_mosaic.version = 14 : i64} {
  func.func @body(%arg0: i32, %arg1: memref<2000x128xf32, #tpu.memory_space<vmem>>, %arg2: memref<2x2000x16xf32, #tpu.memory_space<vmem>>, %arg3: memref<1x1x2000xi32, #tpu.memory_space<vmem>>, %arg4: memref<16x16xf32, #tpu.memory_space<vmem>>, %arg5: memref<128x128xf32, #tpu.memory_space<vmem>>, %arg6: memref<16x128xf32, #tpu.memory_space<vmem>>, %arg7: memref<16x128xf32, #tpu.memory_space<vmem>>, %arg8: memref<1x128xf32, #tpu.memory_space<vmem>>, %arg9: memref<128x128xf32, #tpu.memory_space<vmem>>, %arg10: memref<1x128xf32, #tpu.memory_space<vmem>>, %arg11: memref<128x128xf32, #tpu.memory_space<vmem>>, %arg12: memref<1x128xf32, #tpu.memory_space<vmem>>, %arg13: memref<2000x128xf32, #tpu.memory_space<vmem>>) attributes {dimension_semantics = [#tpu.dimension_semantics<arbitrary>], iteration_bounds = array<i64: 5>, scalar_prefetch = 0 : i64, scratch_operands = 0 : i64, tpu.core_type = #tpu.core_type<tc>, window_params = [{transform_indices = @transform_0, window_bounds = array<i64: 2000, 128>}, {transform_indices = @transform_1, window_bounds = array<i64: 2, 2000, 16>}, {transform_indices = @transform_2, window_bounds = array<i64: 1, 1, 2000>}, {pipeline_mode = #tpu.pipeline_mode<synchronous>, transform_indices = @transform_3, window_bounds = array<i64: 16, 16>}, {pipeline_mode = #tpu.pipeline_mode<synchronous>, transform_indices = @transform_4, window_bounds = array<i64: 128, 128>}, {pipeline_mode = #tpu.pipeline_mode<synchronous>, transform_indices = @transform_5, window_bounds = array<i64: 16, 128>}, {pipeline_mode = #tpu.pipeline_mode<synchronous>, transform_indices = @transform_6, window_bounds = array<i64: 16, 128>}, {pipeline_mode = #tpu.pipeline_mode<synchronous>, transform_indices = @transform_7, window_bounds = array<i64: 1, 128>}, {pipeline_mode = #tpu.pipeline_mode<synchronous>, transform_indices = @transform_8, window_bounds = array<i64: 128, 128>}, {pipeline_mode = #tpu.pipeline_mode<synchronous>, transform_indices = @transform_9, window_bounds = array<i64: 1, 128>}, {pipeline_mode = #tpu.pipeline_mode<synchronous>, transform_indices = @transform_10, window_bounds = array<i64: 128, 128>}, {pipeline_mode = #tpu.pipeline_mode<synchronous>, transform_indices = @transform_11, window_bounds = array<i64: 1, 128>}, {transform_indices = @transform_12, window_bounds = array<i64: 2000, 128>}]} {
    %get3A = arith.constant 0 : index
    %get3A_0 = arith.constant 0 : index
    %get3A_1 = vector.load %arg1[%get3A, %get3A_0] : memref<2000x128xf32, #tpu.memory_space<vmem>>, vector<2000x128xf32>
    %get3A_2 = arith.constant 0 : index
    %get3A_3 = arith.constant 0 : index
    %get3A_4 = arith.constant 0 : index
    %get3A_5 = vector.load %arg2[%get3A_2, %get3A_3, %get3A_4] : memref<2x2000x16xf32, #tpu.memory_space<vmem>>, vector<1x2000x16xf32>
    %get3A_6 = vector.shape_cast %get3A_5 : vector<1x2000x16xf32> to vector<2000x16xf32>
    %get3A_7 = arith.constant 1 : index
    %get3A_8 = arith.constant 0 : index
    %get3A_9 = arith.constant 0 : index
    %get3A_10 = vector.load %arg2[%get3A_7, %get3A_8, %get3A_9] : memref<2x2000x16xf32, #tpu.memory_space<vmem>>, vector<1x2000x16xf32>
    %get3A_11 = vector.shape_cast %get3A_10 : vector<1x2000x16xf32> to vector<2000x16xf32>
    %add3A = arith.addf %get3A_6, %get3A_11 : vector<2000x16xf32>
    %get3A_12 = arith.constant 0 : index
    %get3A_13 = arith.constant 0 : index
    %get3A_14 = arith.constant 0 : index
    %get3A_15 = vector.load %arg3[%get3A_12, %get3A_13, %get3A_14] : memref<1x1x2000xi32, #tpu.memory_space<vmem>>, vector<1x1x2000xi32>
    %get3A_16 = vector.shape_cast %get3A_15 : vector<1x1x2000xi32> to vector<2000xi32>
    %broadcast_in_dim3A = vector.shape_cast %get3A_16 : vector<2000xi32> to vector<2000x1xi32>
    %iota3A = tpu.iota {dimensions = array<i32: 1>} : vector<2000x16xi32>
    %eq3A = vector.broadcast %broadcast_in_dim3A : vector<2000x1xi32> to vector<2000x16xi32>
    %eq3A_17 = arith.cmpi eq, %eq3A, %iota3A : vector<2000x16xi32>
    %convert_element_type3A = arith.extui %eq3A_17 : vector<2000x16xi1> to vector<2000x16xi32>
    %convert_element_type3A_18 = arith.sitofp %convert_element_type3A : vector<2000x16xi32> to vector<2000x16xf32>
    %get3A_19 = arith.constant 0 : index
    %get3A_20 = arith.constant 0 : index
    %get3A_21 = vector.load %arg4[%get3A_19, %get3A_20] : memref<16x16xf32, #tpu.memory_space<vmem>>, vector<16x16xf32>
    %get3A_22 = arith.constant 0 : index
    %get3A_23 = arith.constant 0 : index
    %get3A_24 = vector.load %arg7[%get3A_22, %get3A_23] : memref<16x128xf32, #tpu.memory_space<vmem>>, vector<16x128xf32>
    %dot_general3A = arith.constant dense<0.000000e+00> : vector<16x128xf32>
    %dot_general3A_25 = tpu.matmul %get3A_21, %get3A_24, %dot_general3A {dimension_numbers = #tpu.dot_dimension_numbers<[1], [0], [0], [1], [0, 0, 1, 1], [], []>, transpose_lhs_hint = false} : vector<16x16xf32>, vector<16x128xf32>, vector<16x128xf32> -> vector<16x128xf32>
    %get3A_26 = arith.constant 0 : index
    %get3A_27 = arith.constant 0 : index
    %get3A_28 = vector.load %arg5[%get3A_26, %get3A_27] : memref<128x128xf32, #tpu.memory_space<vmem>>, vector<128x128xf32>
    %dot_general3A_29 = arith.constant dense<0.000000e+00> : vector<2000x128xf32>
    %dot_general3A_30 = tpu.matmul %get3A_1, %get3A_28, %dot_general3A_29 {dimension_numbers = #tpu.dot_dimension_numbers<[1], [0], [0], [1], [0, 0, 1, 1], [], []>, transpose_lhs_hint = false} : vector<2000x128xf32>, vector<128x128xf32>, vector<2000x128xf32> -> vector<2000x128xf32>
    %get3A_31 = arith.constant 0 : index
    %get3A_32 = arith.constant 0 : index
    %get3A_33 = vector.load %arg6[%get3A_31, %get3A_32] : memref<16x128xf32, #tpu.memory_space<vmem>>, vector<16x128xf32>
    %dot_general3A_34 = arith.constant dense<0.000000e+00> : vector<2000x128xf32>
    %dot_general3A_35 = tpu.matmul %add3A, %get3A_33, %dot_general3A_34 {dimension_numbers = #tpu.dot_dimension_numbers<[1], [0], [0], [1], [0, 0, 1, 1], [], []>, transpose_lhs_hint = false} : vector<2000x16xf32>, vector<16x128xf32>, vector<2000x128xf32> -> vector<2000x128xf32>
    %add3A_36 = arith.addf %dot_general3A_30, %dot_general3A_35 : vector<2000x128xf32>
    %dot_general3A_37 = arith.constant dense<0.000000e+00> : vector<2000x128xf32>
    %dot_general3A_38 = tpu.matmul %convert_element_type3A_18, %dot_general3A_25, %dot_general3A_37 {dimension_numbers = #tpu.dot_dimension_numbers<[1], [0], [0], [1], [0, 0, 1, 1], [], []>, transpose_lhs_hint = false} : vector<2000x16xf32>, vector<16x128xf32>, vector<2000x128xf32> -> vector<2000x128xf32>
    %add3A_39 = arith.addf %add3A_36, %dot_general3A_38 : vector<2000x128xf32>
    %get3A_40 = arith.constant 0 : index
    %get3A_41 = arith.constant 0 : index
    %get3A_42 = vector.load %arg8[%get3A_40, %get3A_41] : memref<1x128xf32, #tpu.memory_space<vmem>>, vector<1x128xf32>
    %add3A_43 = vector.broadcast %get3A_42 : vector<1x128xf32> to vector<2000x128xf32>
    %add3A_44 = arith.addf %add3A_39, %add3A_43 : vector<2000x128xf32>
    %gt3A = arith.constant 0.000000e+00 : f32
    %gt3A_45 = vector.broadcast %gt3A : f32 to vector<2000x128xf32>
    %gt3A_46 = arith.cmpf ogt, %add3A_44, %gt3A_45 : vector<2000x128xf32>
    %mul3A = arith.constant 0.00999999977 : f32
    %mul3A_47 = vector.broadcast %mul3A : f32 to vector<2000x128xf32>
    %mul3A_48 = arith.mulf %mul3A_47, %add3A_44 : vector<2000x128xf32>
    %select_n3A = arith.select %gt3A_46, %add3A_44, %mul3A_48 : vector<2000x128xi1>, vector<2000x128xf32>
    %get3A_49 = arith.constant 0 : index
    %get3A_50 = arith.constant 0 : index
    %get3A_51 = vector.load %arg9[%get3A_49, %get3A_50] : memref<128x128xf32, #tpu.memory_space<vmem>>, vector<128x128xf32>
    %dot_general3A_52 = arith.constant dense<0.000000e+00> : vector<2000x128xf32>
    %dot_general3A_53 = tpu.matmul %select_n3A, %get3A_51, %dot_general3A_52 {dimension_numbers = #tpu.dot_dimension_numbers<[1], [0], [0], [1], [0, 0, 1, 1], [], []>, transpose_lhs_hint = false} : vector<2000x128xf32>, vector<128x128xf32>, vector<2000x128xf32> -> vector<2000x128xf32>
    %get3A_54 = arith.constant 0 : index
    %get3A_55 = arith.constant 0 : index
    %get3A_56 = vector.load %arg10[%get3A_54, %get3A_55] : memref<1x128xf32, #tpu.memory_space<vmem>>, vector<1x128xf32>
    %add3A_57 = vector.broadcast %get3A_56 : vector<1x128xf32> to vector<2000x128xf32>
    %add3A_58 = arith.addf %dot_general3A_53, %add3A_57 : vector<2000x128xf32>
    %gt3A_59 = arith.constant 0.000000e+00 : f32
    %gt3A_60 = vector.broadcast %gt3A_59 : f32 to vector<2000x128xf32>
    %gt3A_61 = arith.cmpf ogt, %add3A_58, %gt3A_60 : vector<2000x128xf32>
    %mul3A_62 = arith.constant 0.00999999977 : f32
    %mul3A_63 = vector.broadcast %mul3A_62 : f32 to vector<2000x128xf32>
    %mul3A_64 = arith.mulf %mul3A_63, %add3A_58 : vector<2000x128xf32>
    %select_n3A_65 = arith.select %gt3A_61, %add3A_58, %mul3A_64 : vector<2000x128xi1>, vector<2000x128xf32>
    %get3A_66 = arith.constant 0 : index
    %get3A_67 = arith.constant 0 : index
    %get3A_68 = vector.load %arg11[%get3A_66, %get3A_67] : memref<128x128xf32, #tpu.memory_space<vmem>>, vector<128x128xf32>
    %dot_general3A_69 = arith.constant dense<0.000000e+00> : vector<2000x128xf32>
    %dot_general3A_70 = tpu.matmul %select_n3A_65, %get3A_68, %dot_general3A_69 {dimension_numbers = #tpu.dot_dimension_numbers<[1], [0], [0], [1], [0, 0, 1, 1], [], []>, transpose_lhs_hint = false} : vector<2000x128xf32>, vector<128x128xf32>, vector<2000x128xf32> -> vector<2000x128xf32>
    %get3A_71 = arith.constant 0 : index
    %get3A_72 = arith.constant 0 : index
    %get3A_73 = vector.load %arg12[%get3A_71, %get3A_72] : memref<1x128xf32, #tpu.memory_space<vmem>>, vector<1x128xf32>
    %add3A_74 = vector.broadcast %get3A_73 : vector<1x128xf32> to vector<2000x128xf32>
    %add3A_75 = arith.addf %dot_general3A_70, %add3A_74 : vector<2000x128xf32>
    %swap3A = arith.constant 0 : index
    %swap3A_76 = arith.constant 0 : index
    %swap3A_77 = vector.load %arg13[%swap3A, %swap3A_76] : memref<2000x128xf32, #tpu.memory_space<vmem>>, vector<2000x128xf32>
    tpu.vector_store %arg13[%swap3A, %swap3A_76], %add3A_75 {strides = array<i32>} : memref<2000x128xf32, #tpu.memory_space<vmem>>, vector<2000x128xf32>,
    return
  }
  func.func @transform_0(%arg0: i32) -> (i32, i32) {
    %c0_i32 = arith.constant 0 : i32
    %c0_i32_0 = arith.constant 0 : i32
    return %arg0, %c0_i32 : i32, i32
  }
  func.func @transform_1(%arg0: i32) -> (i32, i32, i32) {
    %c0_i32 = arith.constant 0 : i32
    %c0_i32_0 = arith.constant 0 : i32
    %c0_i32_1 = arith.constant 0 : i32
    return %c0_i32, %arg0, %c0_i32_0 : i32, i32, i32
  }
  func.func @transform_2(%arg0: i32) -> (i32, i32, i32) {
    %c0_i32 = arith.constant 0 : i32
    %c0_i32_0 = arith.constant 0 : i32
    %c0_i32_1 = arith.constant 0 : i32
    return %arg0, %c0_i32, %c0_i32_0 : i32, i32, i32
  }
  func.func @transform_3(%arg0: i32) -> (i32, i32) {
    %c0_i32 = arith.constant 0 : i32
    %c0_i32_0 = arith.constant 0 : i32
    %c0_i32_1 = arith.constant 0 : i32
    return %c0_i32, %c0_i32_0 : i32, i32
  }
  func.func @transform_4(%arg0: i32) -> (i32, i32) {
    %c0_i32 = arith.constant 0 : i32
    %c0_i32_0 = arith.constant 0 : i32
    %c0_i32_1 = arith.constant 0 : i32
    return %c0_i32, %c0_i32_0 : i32, i32
  }
  func.func @transform_5(%arg0: i32) -> (i32, i32) {
    %c0_i32 = arith.constant 0 : i32
    %c0_i32_0 = arith.constant 0 : i32
    %c0_i32_1 = arith.constant 0 : i32
    return %c0_i32, %c0_i32_0 : i32, i32
  }
  func.func @transform_6(%arg0: i32) -> (i32, i32) {
    %c0_i32 = arith.constant 0 : i32
    %c0_i32_0 = arith.constant 0 : i32
    %c0_i32_1 = arith.constant 0 : i32
    return %c0_i32, %c0_i32_0 : i32, i32
  }
  func.func @transform_7(%arg0: i32) -> (i32, i32) {
    %c0_i32 = arith.constant 0 : i32
    %c0_i32_0 = arith.constant 0 : i32
    %c0_i32_1 = arith.constant 0 : i32
    return %c0_i32, %c0_i32_0 : i32, i32
  }
  func.func @transform_8(%arg0: i32) -> (i32, i32) {
    %c0_i32 = arith.constant 0 : i32
    %c0_i32_0 = arith.constant 0 : i32
    %c0_i32_1 = arith.constant 0 : i32
    return %c0_i32, %c0_i32_0 : i32, i32
  }
  func.func @transform_9(%arg0: i32) -> (i32, i32) {
    %c0_i32 = arith.constant 0 : i32
    %c0_i32_0 = arith.constant 0 : i32
    %c0_i32_1 = arith.constant 0 : i32
    return %c0_i32, %c0_i32_0 : i32, i32
  }
  func.func @transform_10(%arg0: i32) -> (i32, i32) {
    %c0_i32 = arith.constant 0 : i32
    %c0_i32_0 = arith.constant 0 : i32
    %c0_i32_1 = arith.constant 0 : i32
    return %c0_i32, %c0_i32_0 : i32, i32
  }
  func.func @transform_11(%arg0: i32) -> (i32, i32) {
    %c0_i32 = arith.constant 0 : i32
    %c0_i32_0 = arith.constant 0 : i32
    %c0_i32_1 = arith.constant 0 : i32
    return %c0_i32, %c0_i32_0 : i32, i32
  }
  func.func @transform_12(%arg0: i32) -> (i32, i32) {
    %c0_i32 = arith.constant 0 : i32
    %c0_i32_0 = arith.constant 0 : i32
    return %arg0, %c0_i32 : i32, i32
  }
}

</mosaic_0001>

<sc_bundles>
// kernel: kernel.4.cloned.1.call-start
scs
__scs_entry_jumppad:
0x0: {  	(pc) =	sbr.rel $0x88, $3  }
0x1: {  	(tag) =	ssettag $0x0;
	lr =	simm.s32 $0x1  }
0x2: {  	[smem:$0x3F96] =	sst lr;
	_ =	strace $0xD0000000  }
0x3: {  	_ = 	snop  }
0x4: {  	_ = 	snop  }
0x5: {  	_ = 	snop  }
0x6: {  	_ = 	snop  }
0x7: {  	_ = 	snop  }
__scs_overlays_trampoline_lowered:
0x8: {  	[smem:$0x3FA5] =	sst s0  }
0x9: {  	[smem:$0x3FA6] =	sst s1  }
0xa: {  	[smem:$0x3FA7] =	sst s2  }
0xb: {  	[smem:$0x3FA8] =	sst s3  }
0xc: {  	[smem:$0x3FA9] =	sst s4  }
0xd: {  	[smem:$0x3FAA] =	sst s5  }
0xe: {  	[smem:$0x3FAB] =	sst s6  }
0xf: {  	[smem:$0x3FAC] =	sst s7  }
0x10: {  	[smem:$0x3FAD] =	sst s8  }
0x11: {  	[smem:$0x3FAE] =	sst s9;
	s0 =	simm.s32 @!p0 $0x0  }
0x12: {  	s1 =	sld [smem:$0x3F94];
	s0 =	simm.s32 @p0 $0x1  }
0x13: {  	[smem:$0x3FAF] =	sst s0;
	s0 =	simm.s32 @!p1 $0x0  }
0x14: {  	s2 =	sld [smem:$0x3F93];
	s0 =	simm.s32 @p1 $0x1  }
0x15: {  	[smem:$0x3FB0] =	sst s0;
	s0 =	simm.s32 @!p2 $0x0  }
0x16: {  	s3 =	sld [smem:$0x3FDB];
	s0 =	simm.s32 @p2 $0x1  }
0x17: {  	s4 =	simm.s32 $0x1BF5;
	[smem:$0x3FB2] =	sst s0  }
0x18: {  	s0 =	sld [smem:$0x3F95];
	_ =	swait.ge [sflag:s4], $0x0  }
0x19: {  	s7 =	sld [smem:$0x3F96]  }
0x1a: {  	s8 =	sadd.s32 $0xFFFFE003, lr  }
0x1b: {  	s9 =	sadd.s32 $0xFFFFFEF7, lr;
	s5 =	simm.s32 $0xFFFFFFFF;
	p2 =	slt.u32 s8, $0xFFFFF086  }
0x1c: {  	p1 =	slt.u32 s9, $0xF7A;
	s5 =	simm.s32 @!p2 $0x0  }
0x1d: {  	s5 =	simm.s32 @p1 $0x1;
	p0 =	seq.s32 s7, s2  }
0x1e: {  	s7 =	smul.u32 @!p0 $0xF7A, s2;
	p2 =	seq.s32 @!p0 s5, $0x0  }
0x1f: {  	s9 =	smul.u32 $0xF7A, s1;
	s8 =	simm.s32 @!p0 $0x1BF5;
	p2 =	por !p2, p0  }
0x20: {  	[sflag:s8] =	ssyncset.s32 @!p0 $0xFFFFF086;
	s6 =	sadd.s32 @!p0 s3, s7;
	s7 =	simm.s32 @!p0 $0x108  }
0x21: {  	s3 =	sadd.s32 s3, s9;
	s6 =	sadd.s32 @!p0 $0x88, s6;
	s7 =	simm.s32 @p2 $0x1082  }
0x22: {  	[simem:s7], [sflag:s8] =	dma.local @!p0 [hbm:s6], $0xF7A  }
0x23: {  	s9 =	sor.u32 $0xD0000000, s2;
	s6 =	simm.s32 $0x108;
	_ =	swait.ge @!p0 [sflag:s8], $0x0  }
0x24: {  	s3 =	sadd.s32 $0x88, s3;
	s6 =	simm.s32 @!p1 $0x1082;
	[sflag:s4] =	ssyncset.s32 $0xFFFFF086  }
0x25: {  	[simem:s6], [sflag:s4] =	dma.local [hbm:s3], $0xF7A  }
0x26: {  	[smem:$0x3F96] =	sst s1;
	(tag) =	ssettag s2;
	_ =	strace s9  }
0x27: {  	s1 =	sld [smem:$0x3FA6]  }
0x28: {  	s2 =	sld [smem:$0x3FA7]  }
0x29: {  	s4 =	sld [smem:$0x3FA9]  }
0x2a: {  	p0 =	seq.s32 s5, $0x0;
	s5 =	sld [smem:$0x3FAA]  }
0x2b: {  	s6 =	sld [smem:$0x3FAB]  }
0x2c: {  	s7 =	sld [smem:$0x3FAC]  }
0x2d: {  	s3 =	simm.s32 $0x108;
	s8 =	sld [smem:$0x3FAD]  }
0x2e: {  	s3 =	simm.s32 @!p0 $0x1082;
	s9 =	sld [smem:$0x3FAE]  }
0x2f: {  	lr =	sadd.s32 s0, s3;
	s0 =	sld [smem:$0x3FA5]  }
0x30: {  	s3 =	sld [smem:$0x3FA8]  }
0x31: {  	[smem:$0x3FB1] =	sst s10  }
0x32: {  	s10 =	sld [smem:$0x3FAF];
	_ =	sdelay $0x3  }
0x33: {  	p0 =	seq.s32 s10, $0x1;
	s10 =	sld [smem:$0x3FB1];
	_ =	sdelay $0x3  }
0x34: {  	[smem:$0x3FB1] =	sst s10  }
0x35: {  	s10 =	sld [smem:$0x3FB0];
	_ =	sdelay $0x3  }
0x36: {  	p1 =	seq.s32 s10, $0x1;
	s10 =	sld [smem:$0x3FB1];
	_ =	sdelay $0x3  }
0x37: {  	[smem:$0x3FB1] =	sst s10  }
0x38: {  	s10 =	sld [smem:$0x3FB2]  }
0x39: {  	_ = 	snop;
	(pc) =	sbr.ind lr, $3  }
0x3a: {  	_ = 	snop  }
0x3b: {  	_ = 	snop  }
0x3c: {  	p2 =	seq.s32 s10, $0x1;
	s10 =	sld [smem:$0x3FB1]  }
0x3d: {  	_ =	shalt  }
0x3e: {  	_ =	shalt  }
0x3f: {  	_ =	shalt  }
0x40: {  	_ =	shalt  }
0x41: {  	_ =	shalt  }
0x42: {  	_ =	shalt  }
0x43: {  	_ =	shalt  }
0x44: {  	_ =	shalt  }
0x45: {  	_ =	shalt  }
0x46: {  	_ =	shalt  }
0x47: {  	_ =	shalt  }
0x48: {  	_ =	shalt  }
0x49: {  	_ =	shalt  }
0x4a: {  	_ =	shalt  }
0x4b: {  	_ =	shalt  }
0x4c: {  	_ =	shalt  }
0x4d: {  	_ =	shalt  }
0x4e: {  	_ =	shalt  }
0x4f: {  	_ =	shalt  }
0x50: {  	_ =	shalt  }
0x51: {  	_ =	shalt  }
0x52: {  	_ =	shalt  }
0x53: {  	_ =	shalt  }
0x54: {  	_ =	shalt  }
0x55: {  	_ =	shalt  }
0x56: {  	_ =	shalt  }
0x57: {  	_ =	shalt  }
0x58: {  	_ =	shalt  }
0x59: {  	_ =	shalt  }
0x5a: {  	_ =	shalt  }
0x5b: {  	_ =	shalt  }
0x5c: {  	_ =	shalt  }
0x5d: {  	_ =	shalt  }
0x5e: {  	_ =	shalt  }
0x5f: {  	_ =	shalt  }
0x60: {  	_ =	shalt  }
0x61: {  	_ =	shalt  }
0x62: {  	_ =	shalt  }
0x63: {  	_ =	shalt  }
0x64: {  	_ =	shalt  }
0x65: {  	_ =	shalt  }
0x66: {  	_ =	shalt  }
0x67: {  	_ =	shalt  }
0x68: {  	_ =	shalt  }
0x69: {  	_ =	shalt  }
0x6a: {  	_ =	shalt  }
0x6b: {  	_ =	shalt  }
0x6c: {  	_ =	shalt  }
0x6d: {  	_ =	shalt  }
0x6e: {  	_ =	shalt  }
0x6f: {  	_ =	shalt  }
0x70: {  	_ =	shalt  }
0x71: {  	_ =	shalt  }
0x72: {  	_ =	shalt  }
0x73: {  	_ =	shalt  }
0x74: {  	_ =	shalt  }
0x75: {  	_ =	shalt  }
0x76: {  	_ =	shalt  }
0x77: {  	_ =	shalt  }
0x78: {  	_ =	shalt  }
0x79: {  	_ =	shalt  }
0x7a: {  	_ =	shalt  }
0x7b: {  	_ =	shalt  }
0x7c: {  	_ =	shalt  }
0x7d: {  	_ =	shalt  }
0x7e: {  	_ =	shalt  }
0x7f: {  	_ =	shalt  }
0x80: {  	_ =	shalt  }
0x81: {  	_ =	shalt  }
0x82: {  	_ =	shalt  }
0x83: {  	_ =	shalt  }
0x84: {  	_ =	shalt  }
0x85: {  	_ =	shalt  }
0x86: {  	_ =	shalt  }
0x87: {  	_ =	shalt  }
.Lfunc_end0:
.L_simem_size_0:
called_computation_lowered:
.L_overlay_start_0:
0x88: {  	s2 =	sld [smem:$0x3FD9]  }
0x89: {  	s3 =	sld [smem:$0x3FFE];
	_ =	sdelay $0x1  }
0x8a: {  	s1 =	srdreg.scid  }
0x8b: {  	s0 =	sand.u32 $0x1, s1  }
0x8c: {  	s17 =	sshll.u32 s0, $0xA;
	s2 =	sadd.s32 s3, s2  }
0x8d: {  	s2 =	sadd.s32 s2, s17  }
0x8e: {  	[smem:$0x3FBD] =	sst s2  }
0x8f: {  	_ = 	snop  }
0x90: {  	s2 =	sld [smem:$0x3FD0];
	(tm) =	ssettm $0x1  }
0x91: {  	s18 =	sld [smem:$0x3FFB];
	_ =	sdelay $0x3  }
0x92: {  	_ =	strace s18  }
0x93: {  	s3 =	sld [smem:$0x3FFC];
	_ =	sdelay $0x3  }
0x94: {  	_ =	strace s3  }
0x95: {  	s3 =	sld [smem:$0x3FFD];
	_ =	sdelay $0x3  }
0x96: {  	_ =	strace s3  }
0x97: {  	_ =	strace $0x8FFFFFFF  }
0x98: {  	s19 =	sld [smem:$0x3FDB];
	_ =	sdelay $0x1  }
0x99: {  	s4 =	simm.s32 $_scs_section_size  }
0x9a: {  	s5 =	simm.s32 $_size__tile_overlayer_lowered;
	s6 =	simm.s32 $_tile_overlayer_lowered  }
0x9b: {  	s22 =	simm.s32 $0x1BFF;
	s21 =	sshll.u32 s6, $0x1;
	s3 =	sadd.s32 s4, s19  }
0x9c: {  	s7 =	simm.s32 $0x0;
	s20 =	sshll.u32 s5, $0x1;
	s5 =	sadd.s32 s21, s3  }
0x9d: {  	[timem:s7], [sflag:s22] =	dma.local [hbm:s5], s20  }
0x9e: {  	_ =	swait.ge [sflag:s22], s20  }
0x9f: {  	s4 =	ssub.s32 $0x0, s20;
	[sflag:s22] =	ssyncset.done $0x0  }
0xa0: {  	[sflag:s22] =	ssyncadd.s32 s4;
	_ =	sdelay $0x1  }
0xa1: {  	s23 =	simm.s32 $0x1B8B  }
0xa2: {  	_ =	swait.ge [sflag:s23], $0x1  }
0xa3: {  	[sflag:s23] =	ssyncset.done $0x0  }
0xa4: {  	s25 =	simm.s32 $0x1B8E;
	s24 =	sld [smem:$0x3FFE];
	[sflag:s23] =	ssyncadd.s32 $0xFFFFFFFF  }
0xa5: {  	s26 =	simm.s32 $execute0_lowered;
	[smem:$0x3FD2] =	sst s25  }
0xa6: {  	s5 =	sshll.u32 s26, $0x1;
	_ =	strace $0x80000046;
	[dreg:$0x1] =	wrdreg $0xFFFFFFFF  }
0xa7: {  	s28 =	simm.s32 $_size_execute0_lowered;
	s3 =	sadd.s32 s3, s5;
	[dreg:$0x0] =	wrdreg $0x0  }
0xa8: {  	s5 =	sshll.u32 s28, $0x1;
	[dreg:$0x2] =	wrdreg s3  }
0xa9: {  	[dreg:$0x3] =	wrdreg s5  }
0xaa: {  	[dreg:$0x4] =	wrdreg $0xC0  }
0xab: {  	_ =	task [dreg:s7], $0x5FFFF  }
0xac: {  	[dreg:$0x1] =	wrdreg $0xFFFFFFFF  }
0xad: {  	[dreg:$0x0] =	wrdreg $0x60  }
0xae: {  	[dreg:$0x2] =	wrdreg s24  }
0xaf: {  	[dreg:$0x3] =	wrdreg s2  }
0xb0: {  	[dreg:$0x4] =	wrdreg $0xCC800  }
0xb1: {  	[dreg:$0x5] =	wrdreg $0x9  }
0xb2: {  	_ =	task.clear_ibuf [dreg:s7], $0x6FFFF;
	_ =	strace $0x90000046  }
0xb3: {  	s29 =	simm.s32 $0x9;
	_ =	strace $0x80000048  }
0xb4: {  	_ =	swait.ge [sflag:s29], $0x1  }
0xb5: {  	[sflag:s29] =	ssyncadd.s32 $0xFFFFFFFF  }
0xb6: {  	_ =	strace $0x90000048  }
0xb7: {  	_ =	sfence  }
0xb8: {  	s30 =	sld [smem:$0x0];
	_ =	sdelay $0x2  }
0xb9: {  	s31 =	sshll.u32 s1, $0xD;
	s1 =	sshrl.u32 s1, $0x2  }
0xba: {  	s3 =	sand.u32 $0x4000, s31;
	s1 =	sadd.s32 s1, s30  }
0xbb: {  	s0 =	sor.u32 s3, s0;
	s1 =	sshll.u32 s1, $0x11  }
0xbc: {  	s0 =	sor.u32 s1, s0  }
0xbd: {  	s0 =	sadd.s32 $0x8F2B, s0  }
0xbe: {  	[sflag:s0] =	ssyncadd.remote.s32 $0x1  }
0xbf: {  	_ =	sfence.sel $0xFFFF  }
0xc0: {  	[dreg:$0x0] =	wrdreg $0xFFFFFFFF;
	(pc) =	sbr.abs _section_cstart, $3  }
0xc1: {  	[dreg:$0x1] =	wrdreg $0xFFFFFFFF  }
0xc2: {  	_ =	task.clear_ibuf [dreg:s7], $0x2FFFF;
	_ =	strace $0x9FFFFFFF  }
0xc3: {  	(tm) =	ssettm $0x7FFFFFFF  }
tec
execute0_lowered:
.L_overlay_start_1:
0x0: {  	(tag) =	ssettag $0x1  }
0x1: {  	s0 =	rddreg [dreg:$0x0]  }
0x2: {  	s1 =	rddreg [dreg:$0x1]  }
0x3: {  	s2 =	rddreg [dreg:$0x2]  }
0x4: {  	s3 =	srdreg.scid;
	s11 =	stileid.u32  }
0x5: {  	s3 =	sand.u32 $0x1, s3;
	s5 =	smul.u32 $0x2780, s11;
	s6 =	sshll.u32 s11, $0x1  }
0x6: {  	s7 =	simm.s32 $0x0;
	s4 =	smul.u32 $0x27800, s3;
	s6 =	sor.u32 s3, s6  }
0x7: {  	[smem:$0x7FF] =	sst s7;
	s8 =	sadd.s32 $0x4E3C00, s0;
	s26 =	smul.u32 $0x27100, s6  }
0x8: {  	_ =	strace $0x80000047;
	s9 =	ssub.s32 $0x2, s3;
	s6 =	smul.u32 $0x500, s6  }
0x9: {  	s10 =	sshrl.u32 s9, $0x1;
	s4 =	sadd.s32 s5, s4;
	s5 =	sadd.s32 s5, s2  }
0xa: {  	s9 =	ssub.s32 s9, s10;
	s1 =	sadd.s32 s1, s6;
	[dreg:$0x5] =	wrdreg s5  }
0xb: {  	s7 =	sshrl.u32 s26, $0x3;
	s26 =	smax.u32 s9, $0x1;
	[dreg:$0x6] =	wrdreg s1  }
0xc: {  	s7 =	sadd.s32 s8, s7;
	[dreg:$0x17] =	wrdreg s26  }
0xd: {  	s10 =	sadd.s32 $0x2, s7;
	[dreg:$0x4] =	wrdreg s7  }
0xe: {  	s28 =	simm.s32 $0x10;
	s12 =	sadd.s32 $0x4, s7;
	[dreg:$0x7] =	wrdreg s10  }
0xf: {  	s29 =	simm.s32 $0x80;
	s13 =	sadd.s32 $0x6, s7;
	[dreg:$0x8] =	wrdreg s12  }
0x10: {  	s30 =	simm.s32 $0x2800;
	s14 =	sadd.s32 $0x8, s7;
	[dreg:$0x9] =	wrdreg s13  }
0x11: {  	s31 =	simm.s32 $0x2FD0;
	s15 =	sadd.s32 $0xA, s7;
	[dreg:$0xa] =	wrdreg s14  }
0x12: {  	s23 =	smul.u32 $0x9C40, s11;
	s16 =	sadd.s32 $0xC, s7;
	[dreg:$0xb] =	wrdreg s15  }
0x13: {  	s11 =	simm.s32 $0x7620;
	s17 =	sadd.s32 $0xE, s7;
	[dreg:$0xc] =	wrdreg s16  }
0x14: {  	s3 =	smul.u32 $0x4E20, s3;
	s18 =	sadd.s32 $0x7D0, s7;
	[dreg:$0xd] =	wrdreg s17  }
0x15: {  	s4 =	sshrl.u32 s4, $0x3;
	s19 =	sadd.s32 $0x7D2, s7;
	[dreg:$0xe] =	wrdreg s18  }
0x16: {  	s6 =	simm.s32 $0x4F10;
	s20 =	sadd.s32 $0x7D4, s7;
	[dreg:$0xf] =	wrdreg s19  }
0x17: {  	s9 =	simm.s32 $0x6680;
	s21 =	sadd.s32 $0x7D6, s7;
	[dreg:$0x10] =	wrdreg s20  }
0x18: {  	s0 =	sadd.s32 s4, s0;
	s22 =	sadd.s32 $0x7D8, s7;
	[dreg:$0x11] =	wrdreg s21  }
0x19: {  	s1 =	sadd.s32 s23, s8;
	s24 =	sadd.s32 $0x7DA, s7;
	[dreg:$0x12] =	wrdreg s22  }
0x1a: {  	s26 =	simm.s32 $0x4;
	s25 =	sadd.s32 $0x7DC, s7;
	[dreg:$0x13] =	wrdreg s24  }
0x1b: {  	s8 =	simm.s32 $0x5EB0;
	s4 =	sadd.s32 $0x7DE, s7;
	[dreg:$0x14] =	wrdreg s25  }
0x1c: {  	s0 =	sadd.s32 $0x1C00, s0;
	s7 =	simm.s32 $0x56E0;
	[dreg:$0x15] =	wrdreg s4  }
0x1d: {  	[dreg:$0x16] =	wrdreg s0;
	s24 =	sadd.s32 s3, s1;
	s25 =	simm.s32 $0xA500  }
.Ltmp0:
0x1e: {  	s0 =	simm.s32 $0x37A0;
	s1 =	simm.s32 $0x3F70;
	(pc) =	sbr.rel .LBB2_1-.Ltmp0, $4  }
0x1f: {  	s3 =	simm.s32 $0x4740;
	s10 =	simm.s32 $0x6E50;
	s12 =	simm.s32 $0x7DF0  }
0x20: {  	s13 =	simm.s32 $0x85C0;
	s14 =	simm.s32 $0x8D90;
	s15 =	simm.s32 $0x9560  }
0x21: {  	s16 =	simm.s32 $0x9D30;
	s17 =	simm.s32 $0x1;
	s18 =	simm.s32 $0x7D  }
0x22: {  	v0 =	vimm.f32 $0.0e+00;
	s19 =	simm.s32 $0x3;
	s20 =	simm.s32 $0x2;
	s21 =	simm.s32 $0x0  }
.LBB2_6:
0x23: {  	[bflag:$0x0] =	sbarrier.arrive $0xFFFF  }
0x24: {  	s25 =	simm.s32 $0xA500;
	s26 =	simm.s32 $0x4;
	s5 =	rddreg [dreg:$0x5]  }
0x25: {  	[tilespmem:s25], [sflag:$0x4] =	stream.linear.gather [spmem:s5], $0x2780, $0x38;
	[tilespmem:$0xF400] =	vst v63  }
0x26: {  	_ =	swait.ge [sflag:s26], $0x2780  }
0x27: {  	[sflag:s26] =	ssyncset.done $0x0  }
0x28: {  	s4 =	simm.s32 $0x0;
	s21 =	rddreg [dreg:$0x16];
	[sflag:s26] =	ssyncadd.s32 $0xFFFFD880  }
0x29: {  	[hbm4b:s21+s4] =	stream.linear.scatter [tilespmem:s25], [sflag:$0x4], $0x2780, $0x38;
	[tilespmem:$0xF400] =	vst v63  }
0x2a: {  	_ =	swait.ge [sflag:s26], $0x2780  }
0x2b: {  	s22 =	rddreg [dreg:$0x18]  }
0x2c: {  	s23 =	rddreg [dreg:$0x17];
	s21 =	sadd.s32 $0x1, s22  }
0x2d: {  	p0 =	sne.s32 s21, s23  }
.Ltmp1:
0x2e: {  	_ = 	snop;
	(pc) =	sbr.rel @!p0 .LBB2_7-.Ltmp1, $3  }
0x2f: {  	_ =	sdelay $0x1  }
0x30: {  	[sflag:s26] =	ssyncset.done $0x0  }
0x31: {  	[sflag:s26] =	ssyncadd.s32 $0xFFFFD880  }
.LBB2_1:
0x32: {  	[dreg:$0x18] =	wrdreg s21;
	s22 =	simm.s32 $0x40;
	s23 =	simm.s32 $0x0  }
.LBB2_2:
0x33: {  	p0 =	sne.s32 s22, $0x9DC0;
	[tilespmem:s23+$0xA500] =	vst v0;
	s23 =	smov.u32 s22;
	s22 =	sadd.s32 $0x40, s22  }
.Ltmp2:
0x34: {  	(pc) =	sbr.rel @p0 .LBB2_2-.Ltmp2, $2  }
0x35: {  	_ =	sdelay $0x2  }
0x36: {  	s23 =	sshra.s32 s23, $0x2  }
0x37: {  	[tilespmem:s23+$0xA500] =	vst v0  }
0x38: {  	[spmem:s5] =	stream.linear.scatter [tilespmem:s25], [sflag:$0x4], $0x2780, $0x38;
	[tilespmem:$0xF400] =	vst v63  }
0x39: {  	_ =	swait.ge [sflag:s26], $0x2780  }
0x3a: {  	[sflag:s26] =	ssyncset.done $0x0  }
0x3b: {  	s22 =	simm.s32 $0x0;
	s4 =	rddreg [dreg:$0x6];
	[sflag:s26] =	ssyncadd.s32 $0xFFFFD880  }
0x3c: {  	[tilespmem:s22], [sflag:$0x4] =	stream.linear.gather [hbm4b:s4+s22], $0x2800, $0x38;
	[tilespmem:$0xF400] =	vst v63  }
0x3d: {  	_ =	swait.ge [sflag:s26], $0x2800  }
0x3e: {  	[sflag:s26] =	ssyncset.done $0x0  }
0x3f: {  	[sflag:s26] =	ssyncadd.s32 $0xFFFFD800  }
0x40: {  	[bflag:$0x0] =	sbarrier.arrive $0xFFFF  }
0x41: {  	s26 =	rddreg [dreg:$0x4]  }
0x42: {  	[tilespmem:s30], [sflag:$0x1] =	stream.strided.gather [hbm4b:s26+s28], $0x7D0, s29, s28, $0x38;
	[tilespmem:$0xF400] =	vst v63  }
0x43: {  	s5 =	rddreg [dreg:$0x7]  }
0x44: {  	[tilespmem:s31], [sflag:$0x1] =	stream.strided.gather [hbm4b:s5+s28], $0x7D0, s29, s28, $0x38;
	[tilespmem:$0xF400] =	vst v63  }
0x45: {  	s21 =	rddreg [dreg:$0x8]  }
0x46: {  	[tilespmem:s0], [sflag:$0x1] =	stream.strided.gather [hbm4b:s21+s28], $0x7D0, s29, s28, $0x38;
	[tilespmem:$0xF400] =	vst v63  }
0x47: {  	s23 =	rddreg [dreg:$0x9]  }
0x48: {  	[tilespmem:s1], [sflag:$0x1] =	stream.strided.gather [hbm4b:s23+s28], $0x7D0, s29, s28, $0x38;
	[tilespmem:$0xF400] =	vst v63  }
0x49: {  	s25 =	rddreg [dreg:$0xa]  }
0x4a: {  	[tilespmem:s3], [sflag:$0x1] =	stream.strided.gather [hbm4b:s25+s28], $0x7D0, s29, s28, $0x38;
	[tilespmem:$0xF400] =	vst v63  }
0x4b: {  	s26 =	rddreg [dreg:$0xb]  }
0x4c: {  	[tilespmem:s6], [sflag:$0x1] =	stream.strided.gather [hbm4b:s26+s28], $0x7D0, s29, s28, $0x38;
	[tilespmem:$0xF400] =	vst v63  }
0x4d: {  	s5 =	rddreg [dreg:$0xc]  }
0x4e: {  	[tilespmem:s7], [sflag:$0x1] =	stream.strided.gather [hbm4b:s5+s28], $0x7D0, s29, s28, $0x38;
	[tilespmem:$0xF400] =	vst v63  }
0x4f: {  	s21 =	rddreg [dreg:$0xd]  }
0x50: {  	[tilespmem:s8], [sflag:$0x1] =	stream.strided.gather [hbm4b:s21+s28], $0x7D0, s29, s28, $0x38;
	[tilespmem:$0xF400] =	vst v63  }
0x51: {  	s23 =	rddreg [dreg:$0xe]  }
0x52: {  	[tilespmem:s9], [sflag:$0x2] =	stream.strided.gather [hbm4b:s23+s28], $0x7D0, s29, s28, $0x38;
	[tilespmem:$0xF400] =	vst v63  }
0x53: {  	s25 =	rddreg [dreg:$0xf]  }
0x54: {  	[tilespmem:s10], [sflag:$0x2] =	stream.strided.gather [hbm4b:s25+s28], $0x7D0, s29, s28, $0x38;
	[tilespmem:$0xF400] =	vst v63  }
0x55: {  	s26 =	rddreg [dreg:$0x10]  }
0x56: {  	[tilespmem:s11], [sflag:$0x2] =	stream.strided.gather [hbm4b:s26+s28], $0x7D0, s29, s28, $0x38;
	[tilespmem:$0xF400] =	vst v63  }
0x57: {  	s5 =	rddreg [dreg:$0x11]  }
0x58: {  	[tilespmem:s12], [sflag:$0x2] =	stream.strided.gather [hbm4b:s5+s28], $0x7D0, s29, s28, $0x38;
	[tilespmem:$0xF400] =	vst v63  }
0x59: {  	s21 =	rddreg [dreg:$0x12]  }
0x5a: {  	[tilespmem:s13], [sflag:$0x2] =	stream.strided.gather [hbm4b:s21+s28], $0x7D0, s29, s28, $0x38;
	[tilespmem:$0xF400] =	vst v63  }
0x5b: {  	s23 =	rddreg [dreg:$0x13]  }
0x5c: {  	[tilespmem:s14], [sflag:$0x2] =	stream.strided.gather [hbm4b:s23+s28], $0x7D0, s29, s28, $0x38;
	[tilespmem:$0xF400] =	vst v63  }
0x5d: {  	s25 =	rddreg [dreg:$0x14]  }
0x5e: {  	[tilespmem:s15], [sflag:$0x2] =	stream.strided.gather [hbm4b:s25+s28], $0x7D0, s29, s28, $0x38;
	[tilespmem:$0xF400] =	vst v63  }
0x5f: {  	s26 =	rddreg [dreg:$0x15];
	s23 =	simm.s32 $0x0  }
0x60: {  	[tilespmem:s16], [sflag:$0x2] =	stream.strided.gather [hbm4b:s26+s28], $0x7D0, s29, s28, $0x38;
	[tilespmem:$0xF400] =	vst v63  }
.LBB2_4:
0x61: {  	_ =	swait.ge [sflag:s17], $0x7D0  }
0x62: {  	[sflag:s17] =	ssyncset.done $0x0  }
0x63: {  	[sflag:s17] =	ssyncadd.s32 $0xFFFFF830  }
0x64: {  	_ =	swait.ge [sflag:s17], $0x7D0  }
0x65: {  	[sflag:s17] =	ssyncset.done $0x0  }
0x66: {  	[sflag:s17] =	ssyncadd.s32 $0xFFFFF830  }
0x67: {  	_ =	swait.ge [sflag:s17], $0x7D0  }
0x68: {  	[sflag:s17] =	ssyncset.done $0x0  }
0x69: {  	[sflag:s17] =	ssyncadd.s32 $0xFFFFF830  }
0x6a: {  	_ =	swait.ge [sflag:s17], $0x7D0  }
0x6b: {  	[sflag:s17] =	ssyncset.done $0x0  }
0x6c: {  	[sflag:s17] =	ssyncadd.s32 $0xFFFFF830  }
0x6d: {  	_ =	swait.ge [sflag:s17], $0x7D0  }
0x6e: {  	[sflag:s17] =	ssyncset.done $0x0  }
0x6f: {  	[sflag:s17] =	ssyncadd.s32 $0xFFFFF830  }
0x70: {  	_ =	swait.ge [sflag:s17], $0x7D0  }
0x71: {  	[sflag:s17] =	ssyncset.done $0x0  }
0x72: {  	[sflag:s17] =	ssyncadd.s32 $0xFFFFF830  }
0x73: {  	_ =	swait.ge [sflag:s17], $0x7D0  }
0x74: {  	[sflag:s17] =	ssyncset.done $0x0  }
0x75: {  	[sflag:s17] =	ssyncadd.s32 $0xFFFFF830  }
0x76: {  	_ =	swait.ge [sflag:s17], $0x7D0  }
0x77: {  	[sflag:s17] =	ssyncset.done $0x0  }
0x78: {  	[sflag:s17] =	ssyncadd.s32 $0xFFFFF830  }
0x79: {  	[spmem:s2] =	stream.indirect.scatter.add.f32 [tilespmem:s30], [sflag:$0x3], $0x10, s22, s18, $0xb8;
	[tilespmem:$0xF400] =	vst v63  }
0x7a: {  	s4 =	sadd.s32 $0x80, s22  }
0x7b: {  	[spmem:s2] =	stream.indirect.scatter.add.f32 [tilespmem:s31], [sflag:$0x3], $0x10, s4, s18, $0xb8;
	[tilespmem:$0xF400] =	vst v63  }
0x7c: {  	s25 =	sadd.s32 $0x100, s22  }
0x7d: {  	[spmem:s2] =	stream.indirect.scatter.add.f32 [tilespmem:s0], [sflag:$0x3], $0x10, s25, s18, $0xb8;
	[tilespmem:$0xF400] =	vst v63  }
0x7e: {  	s26 =	sadd.s32 $0x180, s22  }
0x7f: {  	[spmem:s2] =	stream.indirect.scatter.add.f32 [tilespmem:s1], [sflag:$0x3], $0x10, s26, s18, $0xb8;
	[tilespmem:$0xF400] =	vst v63  }
0x80: {  	s5 =	sadd.s32 $0x200, s22  }
0x81: {  	[spmem:s2] =	stream.indirect.scatter.add.f32 [tilespmem:s3], [sflag:$0x3], $0x10, s5, s18, $0xb8;
	[tilespmem:$0xF400] =	vst v63  }
0x82: {  	s21 =	sadd.s32 $0x280, s22  }
0x83: {  	[spmem:s2] =	stream.indirect.scatter.add.f32 [tilespmem:s6], [sflag:$0x3], $0x10, s21, s18, $0xb8;
	[tilespmem:$0xF400] =	vst v63  }
0x84: {  	s25 =	sadd.s32 $0x300, s22  }
0x85: {  	[spmem:s2] =	stream.indirect.scatter.add.f32 [tilespmem:s7], [sflag:$0x3], $0x10, s25, s18, $0xb8;
	[tilespmem:$0xF400] =	vst v63  }
0x86: {  	s26 =	sadd.s32 $0x380, s22  }
0x87: {  	[spmem:s2] =	stream.indirect.scatter.add.f32 [tilespmem:s8], [sflag:$0x3], $0x10, s26, s18, $0xb8;
	[tilespmem:$0xF400] =	vst v63  }
0x88: {  	_ =	swait.ge [sflag:s19], $0x7D0  }
0x89: {  	[sflag:s19] =	ssyncset.done $0x0  }
0x8a: {  	[sflag:s19] =	ssyncadd.s32 $0xFFFFF830  }
0x8b: {  	_ =	swait.ge [sflag:s19], $0x7D0  }
0x8c: {  	[sflag:s19] =	ssyncset.done $0x0  }
0x8d: {  	[sflag:s19] =	ssyncadd.s32 $0xFFFFF830  }
0x8e: {  	_ =	swait.ge [sflag:s19], $0x7D0  }
0x8f: {  	[sflag:s19] =	ssyncset.done $0x0  }
0x90: {  	[sflag:s19] =	ssyncadd.s32 $0xFFFFF830  }
0x91: {  	_ =	swait.ge [sflag:s19], $0x7D0  }
0x92: {  	[sflag:s19] =	ssyncset.done $0x0  }
0x93: {  	[sflag:s19] =	ssyncadd.s32 $0xFFFFF830  }
0x94: {  	_ =	swait.ge [sflag:s19], $0x7D0  }
0x95: {  	[sflag:s19] =	ssyncset.done $0x0  }
0x96: {  	[sflag:s19] =	ssyncadd.s32 $0xFFFFF830  }
0x97: {  	_ =	swait.ge [sflag:s19], $0x7D0  }
0x98: {  	[sflag:s19] =	ssyncset.done $0x0  }
0x99: {  	[sflag:s19] =	ssyncadd.s32 $0xFFFFF830  }
0x9a: {  	_ =	swait.ge [sflag:s19], $0x7D0  }
0x9b: {  	[sflag:s19] =	ssyncset.done $0x0  }
0x9c: {  	p0 =	seq.s32 s23, $0x3E80;
	[sflag:s19] =	ssyncadd.s32 $0xFFFFF830  }
0x9d: {  	s4 =	sadd.s32 @!p0 s23, s24;
	_ =	swait.ge [sflag:s19], $0x7D0  }
0x9e: {  	s5 =	simm.s32 @!p0 $0x10;
	s21 =	simm.s32 @!p0 $0x2800;
	[sflag:s19] =	ssyncset.done $0x0  }
0x9f: {  	s25 =	sadd.s32 @!p0 $0xFA0, s4;
	s26 =	simm.s32 @!p0 $0x80;
	[sflag:s19] =	ssyncadd.s32 $0xFFFFF830  }
0xa0: {  	[tilespmem:s21], [sflag:$0x1] =	stream.strided.gather @!p0 [hbm4b:s25+s5], $0x7D0, s26, s5, $0x38;
	[tilespmem:$0xF400] =	vst v63  }
0xa1: {  	s21 =	sadd.s32 @!p0 $0xFA2, s4;
	s25 =	simm.s32 @!p0 $0x2FD0  }
0xa2: {  	[tilespmem:s25], [sflag:$0x1] =	stream.strided.gather @!p0 [hbm4b:s21+s5], $0x7D0, s26, s5, $0x38;
	[tilespmem:$0xF400] =	vst v63  }
0xa3: {  	s21 =	sadd.s32 @!p0 $0xFA4, s4;
	s25 =	simm.s32 @!p0 $0x37A0  }
0xa4: {  	[tilespmem:s25], [sflag:$0x1] =	stream.strided.gather @!p0 [hbm4b:s21+s5], $0x7D0, s26, s5, $0x38;
	[tilespmem:$0xF400] =	vst v63  }
0xa5: {  	s21 =	sadd.s32 @!p0 $0xFA6, s4;
	s25 =	simm.s32 @!p0 $0x3F70  }
0xa6: {  	[tilespmem:s25], [sflag:$0x1] =	stream.strided.gather @!p0 [hbm4b:s21+s5], $0x7D0, s26, s5, $0x38;
	[tilespmem:$0xF400] =	vst v63  }
0xa7: {  	s21 =	sadd.s32 @!p0 $0xFA8, s4;
	s25 =	simm.s32 @!p0 $0x4740  }
0xa8: {  	[tilespmem:s25], [sflag:$0x1] =	stream.strided.gather @!p0 [hbm4b:s21+s5], $0x7D0, s26, s5, $0x38;
	[tilespmem:$0xF400] =	vst v63  }
0xa9: {  	s21 =	sadd.s32 @!p0 $0xFAA, s4;
	s25 =	simm.s32 @!p0 $0x4F10  }
0xaa: {  	[tilespmem:s25], [sflag:$0x1] =	stream.strided.gather @!p0 [hbm4b:s21+s5], $0x7D0, s26, s5, $0x38;
	[tilespmem:$0xF400] =	vst v63  }
0xab: {  	s21 =	sadd.s32 @!p0 $0xFAC, s4;
	s25 =	simm.s32 @!p0 $0x56E0  }
0xac: {  	[tilespmem:s25], [sflag:$0x1] =	stream.strided.gather @!p0 [hbm4b:s21+s5], $0x7D0, s26, s5, $0x38;
	[tilespmem:$0xF400] =	vst v63  }
0xad: {  	s4 =	sadd.s32 @!p0 $0xFAE, s4;
	s21 =	simm.s32 @!p0 $0x5EB0  }
0xae: {  	[tilespmem:s21], [sflag:$0x1] =	stream.strided.gather @!p0 [hbm4b:s4+s5], $0x7D0, s26, s5, $0x38;
	[tilespmem:$0xF400] =	vst v63  }
0xaf: {  	_ =	swait.ge [sflag:s20], $0x7D0  }
0xb0: {  	[sflag:s20] =	ssyncset.done $0x0  }
0xb1: {  	[sflag:s20] =	ssyncadd.s32 $0xFFFFF830  }
0xb2: {  	_ =	swait.ge [sflag:s20], $0x7D0  }
0xb3: {  	[sflag:s20] =	ssyncset.done $0x0  }
0xb4: {  	[sflag:s20] =	ssyncadd.s32 $0xFFFFF830  }
0xb5: {  	_ =	swait.ge [sflag:s20], $0x7D0  }
0xb6: {  	[sflag:s20] =	ssyncset.done $0x0  }
0xb7: {  	[sflag:s20] =	ssyncadd.s32 $0xFFFFF830  }
0xb8: {  	_ =	swait.ge [sflag:s20], $0x7D0  }
0xb9: {  	[sflag:s20] =	ssyncset.done $0x0  }
0xba: {  	[sflag:s20] =	ssyncadd.s32 $0xFFFFF830  }
0xbb: {  	_ =	swait.ge [sflag:s20], $0x7D0  }
0xbc: {  	[sflag:s20] =	ssyncset.done $0x0  }
0xbd: {  	[sflag:s20] =	ssyncadd.s32 $0xFFFFF830  }
0xbe: {  	_ =	swait.ge [sflag:s20], $0x7D0  }
0xbf: {  	[sflag:s20] =	ssyncset.done $0x0  }
0xc0: {  	[sflag:s20] =	ssyncadd.s32 $0xFFFFF830  }
0xc1: {  	_ =	swait.ge [sflag:s20], $0x7D0  }
0xc2: {  	[sflag:s20] =	ssyncset.done $0x0  }
0xc3: {  	[sflag:s20] =	ssyncadd.s32 $0xFFFFF830  }
0xc4: {  	_ =	swait.ge [sflag:s20], $0x7D0  }
0xc5: {  	[sflag:s20] =	ssyncset.done $0x0  }
0xc6: {  	s5 =	sadd.s32 $0x400, s22;
	[sflag:s20] =	ssyncadd.s32 $0xFFFFF830  }
0xc7: {  	[spmem:s2] =	stream.indirect.scatter.add.f32 [tilespmem:s9], [sflag:$0x3], $0x10, s5, s18, $0xb8;
	[tilespmem:$0xF400] =	vst v63  }
0xc8: {  	s21 =	sadd.s32 $0x480, s22  }
0xc9: {  	[spmem:s2] =	stream.indirect.scatter.add.f32 [tilespmem:s10], [sflag:$0x3], $0x10, s21, s18, $0xb8;
	[tilespmem:$0xF400] =	vst v63  }
0xca: {  	s25 =	sadd.s32 $0x500, s22  }
0xcb: {  	[spmem:s2] =	stream.indirect.scatter.add.f32 [tilespmem:s11], [sflag:$0x3], $0x10, s25, s18, $0xb8;
	[tilespmem:$0xF400] =	vst v63  }
0xcc: {  	s26 =	sadd.s32 $0x580, s22  }
0xcd: {  	[spmem:s2] =	stream.indirect.scatter.add.f32 [tilespmem:s12], [sflag:$0x3], $0x10, s26, s18, $0xb8;
	[tilespmem:$0xF400] =	vst v63  }
0xce: {  	s5 =	sadd.s32 $0x600, s22  }
0xcf: {  	[spmem:s2] =	stream.indirect.scatter.add.f32 [tilespmem:s13], [sflag:$0x3], $0x10, s5, s18, $0xb8;
	[tilespmem:$0xF400] =	vst v63  }
0xd0: {  	s21 =	sadd.s32 $0x680, s22  }
0xd1: {  	[spmem:s2] =	stream.indirect.scatter.add.f32 [tilespmem:s14], [sflag:$0x3], $0x10, s21, s18, $0xb8;
	[tilespmem:$0xF400] =	vst v63  }
0xd2: {  	s25 =	sadd.s32 $0x700, s22  }
0xd3: {  	[spmem:s2] =	stream.indirect.scatter.add.f32 [tilespmem:s15], [sflag:$0x3], $0x10, s25, s18, $0xb8;
	[tilespmem:$0xF400] =	vst v63  }
0xd4: {  	s26 =	sadd.s32 $0x780, s22  }
0xd5: {  	[spmem:s2] =	stream.indirect.scatter.add.f32 [tilespmem:s16], [sflag:$0x3], $0x10, s26, s18, $0xb8;
	[tilespmem:$0xF400] =	vst v63  }
0xd6: {  	_ =	swait.ge [sflag:s19], $0x7D0  }
0xd7: {  	[sflag:s19] =	ssyncset.done $0x0  }
0xd8: {  	[sflag:s19] =	ssyncadd.s32 $0xFFFFF830  }
0xd9: {  	_ =	swait.ge [sflag:s19], $0x7D0  }
0xda: {  	[sflag:s19] =	ssyncset.done $0x0  }
0xdb: {  	[sflag:s19] =	ssyncadd.s32 $0xFFFFF830  }
0xdc: {  	_ =	swait.ge [sflag:s19], $0x7D0  }
0xdd: {  	[sflag:s19] =	ssyncset.done $0x0  }
0xde: {  	[sflag:s19] =	ssyncadd.s32 $0xFFFFF830  }
0xdf: {  	_ =	swait.ge [sflag:s19], $0x7D0  }
0xe0: {  	[sflag:s19] =	ssyncset.done $0x0  }
0xe1: {  	[sflag:s19] =	ssyncadd.s32 $0xFFFFF830  }
0xe2: {  	_ =	swait.ge [sflag:s19], $0x7D0  }
0xe3: {  	[sflag:s19] =	ssyncset.done $0x0  }
0xe4: {  	[sflag:s19] =	ssyncadd.s32 $0xFFFFF830  }
0xe5: {  	_ =	swait.ge [sflag:s19], $0x7D0  }
0xe6: {  	[sflag:s19] =	ssyncset.done $0x0  }
0xe7: {  	[sflag:s19] =	ssyncadd.s32 $0xFFFFF830  }
0xe8: {  	_ =	swait.ge [sflag:s19], $0x7D0  }
.Ltmp3:
0xe9: {  	[sflag:s19] =	ssyncset.done $0x0;
	(pc) =	sbr.rel @p0 .LBB2_6-.Ltmp3, $4  }
0xea: {  	[sflag:s19] =	ssyncadd.s32 $0xFFFFF830  }
0xeb: {  	_ =	swait.ge [sflag:s19], $0x7D0  }
0xec: {  	[sflag:s19] =	ssyncset.done $0x0  }
0xed: {  	[sflag:s19] =	ssyncadd.s32 $0xFFFFF830  }
0xee: {  	s4 =	sadd.s32 s23, s24  }
0xef: {  	s5 =	sadd.s32 $0x1770, s4  }
0xf0: {  	[tilespmem:s9], [sflag:$0x2] =	stream.strided.gather [hbm4b:s5+s28], $0x7D0, s29, s28, $0x38;
	[tilespmem:$0xF400] =	vst v63  }
0xf1: {  	s21 =	sadd.s32 $0x1772, s4  }
0xf2: {  	[tilespmem:s10], [sflag:$0x2] =	stream.strided.gather [hbm4b:s21+s28], $0x7D0, s29, s28, $0x38;
	[tilespmem:$0xF400] =	vst v63  }
0xf3: {  	s25 =	sadd.s32 $0x1774, s4  }
0xf4: {  	[tilespmem:s11], [sflag:$0x2] =	stream.strided.gather [hbm4b:s25+s28], $0x7D0, s29, s28, $0x38;
	[tilespmem:$0xF400] =	vst v63  }
0xf5: {  	s26 =	sadd.s32 $0x1776, s4  }
0xf6: {  	[tilespmem:s12], [sflag:$0x2] =	stream.strided.gather [hbm4b:s26+s28], $0x7D0, s29, s28, $0x38;
	[tilespmem:$0xF400] =	vst v63  }
0xf7: {  	s21 =	sadd.s32 $0x1778, s4  }
0xf8: {  	[tilespmem:s13], [sflag:$0x2] =	stream.strided.gather [hbm4b:s21+s28], $0x7D0, s29, s28, $0x38;
	[tilespmem:$0xF400] =	vst v63  }
0xf9: {  	s25 =	sadd.s32 $0x177A, s4  }
0xfa: {  	[tilespmem:s14], [sflag:$0x2] =	stream.strided.gather [hbm4b:s25+s28], $0x7D0, s29, s28, $0x38;
	[tilespmem:$0xF400] =	vst v63  }
.Ltmp4:
0xfb: {  	_ = 	snop;
	(pc) =	sbr.rel .LBB2_4-.Ltmp4, $4  }
0xfc: {  	s26 =	sadd.s32 $0x177C, s4  }
0xfd: {  	[tilespmem:s15], [sflag:$0x2] =	stream.strided.gather [hbm4b:s26+s28], $0x7D0, s29, s28, $0x38;
	[tilespmem:$0xF400] =	vst v63  }
0xfe: {  	s23 =	sadd.s32 $0xFA0, s23;
	s22 =	sadd.s32 $0x800, s22;
	s4 =	sadd.s32 $0x177E, s4  }
0xff: {  	[tilespmem:s16], [sflag:$0x2] =	stream.strided.gather [hbm4b:s4+s28], $0x7D0, s29, s28, $0x38;
	[tilespmem:$0xF400] =	vst v63  }
.LBB2_7:
0x100: {  	_ =	sfence.sel $0x180000  }
0x101: {  	[bflag:$0x0] =	sbarrier.arrive $0xFFFF  }
0x102: {  	_ =	strace $0x90000047  }
0x103: {  	s0 =	stileid.u32;
	[bflag:$0x2] =	sbarrier.arrive $0xFFFF  }
0x104: {  	p0 =	sne.s32 s0, $0x0;
	s0 =	rddreg [dreg:$0x3]  }
0x105: {  	s0 =	sadd.s32 @!p0 $0x100000, s0  }
0x106: {  	[sflag:s0] =	ssyncadd.tile.s32 @!p0 $0x1;
	_ =	shalt  }
.Lfunc_end2:
_tile_overlayer_lowered:
.L_overlay_start_2:
0x107: {  	(tag) =	ssettag $0x2  }
0x108: {  	s0 =	rddreg [dreg:$0x0];
	s2 =	stileid.u32  }
0x109: {  	s1 =	rddreg [dreg:$0x1];
	p0 =	sne.s32 s2, $0x0  }
0x10a: {  	s3 =	rddreg [dreg:$0x2];
	[bflag:$0x3] =	sbarrier.arrive $0xFFFF;
	s2 =	simm.s32 @!p0 $0x1C04  }
0x10b: {  	[timem:s3], [sflag:s2] =	dma.local @!p0 [hbm:s0], s1  }
0x10c: {  	s0 =	simm.s32 @!p0 $0x4  }
0x10d: {  	_ =	swait.ge @!p0 [sflag:s0], s1  }
0x10e: {  	s1 =	ssub.s32 @!p0 $0x0, s1;
	[sflag:s0] =	ssyncset.done @!p0 $0x0  }
0x10f: {  	[sflag:s0] =	ssyncadd.s32 @!p0 s1  }
0x110: {  	[bflag:$0x3] =	sbarrier.arrive $0xFFFF  }
0x111: {  	_ =	shalt  }

</sc_bundles>
